<compile_context>
chip_gen: v7x
topology: tpu7x:2x2x1
jax: 0.10.2.dev20260603
libtpu: 0.0.44.dev20260713+nightly
codegen_flags: <defaults>
</compile_context>

<pallas_src>
import functools

import jax
import jax.numpy as jnp
from jax import lax
from jax.experimental import pallas as pl
from jax.experimental.pallas import tpu as pltpu
from jax.experimental.pallas import tpu_sc as plsc

N_NODES = 10000
NPAD = 10240
IN_CH = 128
HID = 256
OUT_CH = 128
N_EDGES = 320000

NC = 2
NS = 16
CHUNK = 128
DEG_CHUNKS = 80
AGG_CHUNKS = 160
IDX_BLK = 40
N_IDXBLK = AGG_CHUNKS // IDX_BLK
EPAD = NC * NS * DEG_CHUNKS * CHUNK
ROWS_PER_TILE = NPAD // NS

_MESH = plsc.VectorSubcoreMesh(core_axis_name="c", subcore_axis_name="s")



EPW = EPAD // (NC * NS)
_LANES = 16


@functools.partial(
    pl.kernel,
    out_type=jax.ShapeDtypeStruct((NC * NS, NPAD), jnp.float32),
    mesh=_MESH,
    scratch_types=[
        pltpu.VMEM((EPW,), jnp.int32),
        pltpu.VMEM((NPAD,), jnp.float32),
    ],
    compiler_params=pltpu.CompilerParams(needs_layout_passes=False),
)
def _deg_kernel(dst_hbm, zeros_hbm, out_hbm, idx_v, hist_v):
    c = lax.axis_index("c")
    s = lax.axis_index("s")
    w = s * NC + c
    pltpu.sync_copy(dst_hbm.at[w], idx_v)
    pltpu.sync_copy(zeros_hbm, hist_v)
    ones = jnp.ones((_LANES,), jnp.float32)

    def body(i, carry):
        idx = idx_v[pl.ds(i * _LANES, _LANES)]
        plsc.addupdate_scatter(hist_v, [idx], ones)
        return carry

    lax.fori_loop(0, EPW // _LANES, body, 0)
    pltpu.sync_copy(hist_v, out_hbm.at[w])


def _make_agg(chunk_step):
    n_ch = IDX_BLK // chunk_step

    @functools.partial(
        pl.kernel,
        out_type=jax.ShapeDtypeStruct((NC, NPAD, 128), jnp.float32),
        mesh=_MESH,
        scratch_types=[
            pltpu.VMEM((IDX_BLK, CHUNK), jnp.int32),
            pltpu.VMEM((IDX_BLK, CHUNK), jnp.int32),
            pltpu.VMEM((CHUNK, 128), jnp.float32),
            pltpu.VMEM((CHUNK, 128), jnp.float32),
            pltpu.VMEM_SHARED((NPAD, 128), jnp.float32),
            pltpu.SemaphoreType.DMA,
            pltpu.SemaphoreType.DMA,
        ],
    )
    def agg(src_hbm, dst_hbm, y_hbm, out_hbm,
            src_v, dst_v, rows0, rows1, acc_sh, sem0, sem1):
        c = lax.axis_index("c")
        s = lax.axis_index("s")
        y_c = y_hbm.at[c]
        idx_src = src_hbm.at[s]
        idx_dst = dst_hbm.at[s]
        r0 = s * ROWS_PER_TILE
        pltpu.sync_copy(y_c.at[pl.ds(r0, ROWS_PER_TILE)],
                        acc_sh.at[pl.ds(r0, ROWS_PER_TILE)])
        plsc.subcore_barrier()

        base = c * (chunk_step - 1)

        def ch(k):
            return base + chunk_step * k

        def outer(bi, carry):
            pltpu.sync_copy(idx_src.at[pl.ds(bi * IDX_BLK, IDX_BLK)], src_v)
            pltpu.sync_copy(idx_dst.at[pl.ds(bi * IDX_BLK, IDX_BLK)], dst_v)

            pltpu.async_copy(y_c.at[src_v.at[ch(0)]], rows0, sem0)
            pltpu.async_copy(y_c.at[src_v.at[ch(1)]], rows1, sem1)

            def pair(p, carry2):
                k = 2 * p
                pltpu.make_async_copy(y_c.at[src_v.at[ch(k)]], rows0, sem0).wait()
                pltpu.sync_copy(rows0, acc_sh.at[dst_v.at[ch(k)]], add=True)
                pltpu.async_copy(y_c.at[src_v.at[ch(k + 2)]], rows0, sem0, priority=1)
                pltpu.make_async_copy(y_c.at[src_v.at[ch(k + 1)]], rows1, sem1).wait()
                pltpu.sync_copy(rows1, acc_sh.at[dst_v.at[ch(k + 1)]], add=True)
                pltpu.async_copy(y_c.at[src_v.at[ch(k + 3)]], rows1, sem1, priority=1)
                return carry2

            lax.fori_loop(0, n_ch // 2 - 1, pair, 0)
            kl = n_ch - 2
            pltpu.make_async_copy(y_c.at[src_v.at[ch(kl)]], rows0, sem0).wait()
            pltpu.sync_copy(rows0, acc_sh.at[dst_v.at[ch(kl)]], add=True)
            pltpu.make_async_copy(y_c.at[src_v.at[ch(kl + 1)]], rows1, sem1).wait()
            pltpu.sync_copy(rows1, acc_sh.at[dst_v.at[ch(kl + 1)]], add=True)
            return carry

        lax.fori_loop(0, N_IDXBLK, outer, 0)
        plsc.subcore_barrier()
        pltpu.sync_copy(acc_sh.at[pl.ds(r0, ROWS_PER_TILE)],
                        out_hbm.at[c].at[pl.ds(r0, ROWS_PER_TILE)])

    return agg


_agg_l1 = _make_agg(chunk_step=1)
_agg_l2 = _make_agg(chunk_step=2)



_RB = 512
_GRID = NPAD // _RB


def _dis_from(dp_ref):
    deg = jnp.sum(dp_ref[...], axis=0)[:, None] + 1.0
    return lax.rsqrt(deg)


def _xw_body(x_ref, w_ref, dp_ref, o_ref):
    dis = _dis_from(dp_ref)
    xw = jnp.dot(x_ref[...], w_ref[...], preferred_element_type=jnp.float32)
    y = xw * dis
    h = w_ref.shape[1] // 2
    o_ref[0] = y[:, :h]
    o_ref[1] = y[:, h:]


def _mid_body(a_ref, dp_ref, w_ref, b_ref, o_ref):
    dis = _dis_from(dp_ref)
    aggf = jnp.concatenate([a_ref[0], a_ref[1]], axis=1)
    h = jnp.maximum(aggf * dis + b_ref[...], 0.0)
    hw = jnp.dot(h, w_ref[...], preferred_element_type=jnp.float32)
    y2 = hw * dis
    o_ref[0] = y2
    o_ref[1] = y2


def _fin_body(p_ref, y2_ref, dp_ref, b_ref, o_ref):
    dis = _dis_from(dp_ref)
    aggf = p_ref[0] + p_ref[1] - y2_ref[...]
    o_ref[...] = aggf * dis + b_ref[...]


def _tc_xw(x, w, degp, d_out):
    return pl.pallas_call(
        _xw_body,
        grid=(_GRID,),
        in_specs=[
            pl.BlockSpec((_RB, x.shape[1]), lambda i: (i, 0)),
            pl.BlockSpec((w.shape[0], w.shape[1]), lambda i: (0, 0)),
            pl.BlockSpec((NC * NS, _RB), lambda i: (0, i)),
        ],
        out_specs=pl.BlockSpec((2, _RB, d_out // 2), lambda i: (0, i, 0)),
        out_shape=jax.ShapeDtypeStruct((2, NPAD, d_out // 2), jnp.float32),
    )(x, w, degp)


def _tc_mid(agg1, degp, w, b, d_out):
    return pl.pallas_call(
        _mid_body,
        grid=(_GRID,),
        in_specs=[
            pl.BlockSpec((2, _RB, 128), lambda i: (0, i, 0)),
            pl.BlockSpec((NC * NS, _RB), lambda i: (0, i)),
            pl.BlockSpec((w.shape[0], w.shape[1]), lambda i: (0, 0)),
            pl.BlockSpec((1, b.shape[1]), lambda i: (0, 0)),
        ],
        out_specs=pl.BlockSpec((2, _RB, d_out), lambda i: (0, i, 0)),
        out_shape=jax.ShapeDtypeStruct((2, NPAD, d_out), jnp.float32),
    )(agg1, degp, w, b)


def _tc_fin(parts, y2, degp, b):
    d = y2.shape[1]
    return pl.pallas_call(
        _fin_body,
        grid=(_GRID,),
        in_specs=[
            pl.BlockSpec((2, _RB, d), lambda i: (0, i, 0)),
            pl.BlockSpec((_RB, d), lambda i: (i, 0)),
            pl.BlockSpec((NC * NS, _RB), lambda i: (0, i)),
            pl.BlockSpec((1, d), lambda i: (0, 0)),
        ],
        out_specs=pl.BlockSpec((_RB, d), lambda i: (i, 0)),
        out_shape=jax.ShapeDtypeStruct((NPAD, d), jnp.float32),
    )(parts, y2, degp, b)



def kernel(x, edge_index, W1, b1, W2, b2):
    src = edge_index[0].astype(jnp.int32)
    dst = edge_index[1].astype(jnp.int32)
    npad_e = EPAD - N_EDGES
    pad_dst = N_NODES + (jnp.arange(npad_e, dtype=jnp.int32) % (NPAD - N_NODES))
    src_p = jnp.concatenate([src, jnp.zeros((npad_e,), jnp.int32)])
    dst_p = jnp.concatenate([dst, pad_dst])
    src_agg = src_p.reshape(NS, AGG_CHUNKS, CHUNK)
    dst_agg = dst_p.reshape(NS, AGG_CHUNKS, CHUNK)
    dst_deg = dst_p.reshape(NC * NS, EPW)

    zeros1 = jnp.zeros((NPAD,), jnp.float32)
    xp = jnp.zeros((NPAD, IN_CH), x.dtype).at[:N_NODES].set(x)

    degp = _deg_kernel(dst_deg, zeros1)

    y1 = _tc_xw(xp, W1, degp, HID)
    agg1 = _agg_l1(src_agg, dst_agg, y1)
    y2 = _tc_mid(agg1, degp, W2, b1.reshape(1, HID), OUT_CH)
    parts = _agg_l2(src_agg, dst_agg, y2)
    z = _tc_fin(parts, y2[0], degp, b2.reshape(1, OUT_CH))
    return z[:N_NODES]

# --- scband reference (transcript-rebuilt; emitter-appended) ---
"""Pipeline reference for scband-gcnencoder-5257039970768 (READ-ONLY COPY).

The authoritative reference and input builder live on the scoring server;
editing this copy changes nothing except your own understanding.
"""

import jax, jax.numpy as jnp
import numpy as np

N_NODES = 10000
IN_CH = 128
HID = 256  # 2 * out_channels
OUT_CH = 128
N_EDGES = 320000


def _gcn_conv(x, src, dst, W, b, n_nodes):
    # PyG GCNConv: linear transform, add self-loops, sym-normalized scatter-add
    xw = x @ W
    loop = jnp.arange(n_nodes, dtype=src.dtype)
    src_sl = jnp.concatenate([src, loop])
    dst_sl = jnp.concatenate([dst, loop])
    deg = jnp.zeros((n_nodes,), dtype=xw.dtype).at[dst_sl].add(1.0)
    deg_inv_sqrt = jnp.where(deg > 0, jax.lax.rsqrt(deg), 0.0)
    norm = deg_inv_sqrt[src_sl] * deg_inv_sqrt[dst_sl]
    msg = xw[src_sl] * norm[:, None]
    out = jnp.zeros((n_nodes, W.shape[1]), dtype=xw.dtype).at[dst_sl].add(msg)
    return out + b


def setup_inputs(seed: int = 0) -> dict:
    key = jax.random.key(seed)
    k_x, k_e, k_w1, k_w2 = jax.random.split(key, 4)
    x = jax.random.normal(k_x, (N_NODES, IN_CH), dtype=jnp.float32)
    edge_index = jax.random.randint(k_e, (2, N_EDGES), 0, N_NODES, dtype=jnp.int64 if jax.config.jax_enable_x64 else jnp.int32).astype(jnp.int32)
    # glorot-ish init for GCNConv weights
    W1 = jax.random.normal(k_w1, (IN_CH, HID), dtype=jnp.float32) * (1.0 / np.sqrt(IN_CH))
    b1 = jnp.zeros((HID,), dtype=jnp.float32)
    W2 = jax.random.normal(k_w2, (HID, OUT_CH), dtype=jnp.float32) * (1.0 / np.sqrt(HID))
    b2 = jnp.zeros((OUT_CH,), dtype=jnp.float32)
    return {"x": x, "edge_index": edge_index, "W1": W1, "b1": b1, "W2": W2, "b2": b2}


def reference(x, edge_index, W1, b1, W2, b2):
    src = edge_index[0]
    dst = edge_index[1]
    h = _gcn_conv(x, src, dst, W1, b1, N_NODES)
    h = jax.nn.relu(h)
    z = _gcn_conv(h, src, dst, W2, b2, N_NODES)
    return z

if __name__ == "__main__":
    import jax
    _d = setup_inputs()
    print(jax.jit(kernel)(*tuple(_d.values())))

</pallas_src>

<mosaic_0001>
#map = affine_map<(d0, d1) -> (0, 0, 0)>
module attributes {stable_mosaic.version = 14 : i64} {
  func.func @agg(%arg0: i32, %arg1: i32, %arg2: memref<16x160x128xi32, #tpu.memory_space<hbm>>, %arg3: memref<16x160x128xi32, #tpu.memory_space<hbm>>, %arg4: memref<2x10240x128xf32, #tpu.memory_space<hbm>>, %arg5: memref<2x10240x128xf32, #tpu.memory_space<hbm>>, %arg6: memref<40x128xi32, #tpu.memory_space<vmem>>, %arg7: memref<40x128xi32, #tpu.memory_space<vmem>>, %arg8: memref<128x128xf32, #tpu.memory_space<vmem>>, %arg9: memref<128x128xf32, #tpu.memory_space<vmem>>, %arg10: memref<10240x128xf32, #tpu.memory_space<vmem_shared>>, %arg11: memref<!tpu.dma_semaphore, #tpu.memory_space<semaphore_mem>>, %arg12: memref<!tpu.dma_semaphore, #tpu.memory_space<semaphore_mem>>) attributes {dimension_semantics = [#tpu.dimension_semantics<core_parallel>, #tpu.dimension_semantics<subcore_parallel>], iteration_bounds = array<i64: 2, 16>, scalar_prefetch = 0 : i64, scratch_operands = 7 : i64, tpu.core_type = #tpu.core_type<sc_vector_subcore>, window_params = [{transform_indices = #map}, {transform_indices = #map}, {transform_indices = #map}, {transform_indices = #map}]} {
    %mul3A = arith.constant 640 : i32
    %mul3A_0 = arith.muli %arg1, %mul3A : i32
    "tpu.region"() ({
      %run_scoped3A = tpu.sem_alloc : memref<!tpu.dma_semaphore, #tpu.memory_space<semaphore_mem>>
      %dma_start3A = arith.constant 0 : i32
      %dma_start3A_9 = tpu.memref_slice %arg10[%mul3A_0, %dma_start3A] : memref<10240x128xf32, #tpu.memory_space<vmem_shared>> -> memref<640x128xf32, #tpu.memory_space<vmem_shared>>
      %dma_start3A_10 = arith.constant 0 : i32
      %dma_start3A_11 = arith.constant 0 : i32
      %dma_start3A_12 = tpu.memref_slice %arg4[%arg0, %dma_start3A_10, %dma_start3A_11] : memref<2x10240x128xf32, #tpu.memory_space<hbm>> -> memref<1x10240x128xf32, #tpu.memory_space<hbm>>
      %dma_start3A_13 = tpu.memref_squeeze %dma_start3A_12 : memref<1x10240x128xf32, #tpu.memory_space<hbm>> -> memref<10240x128xf32, #tpu.memory_space<hbm>>
      %dma_start3A_14 = arith.constant 0 : i32
      %dma_start3A_15 = tpu.memref_slice %dma_start3A_13[%mul3A_0, %dma_start3A_14] : memref<10240x128xf32, #tpu.memory_space<hbm>> -> memref<640x128xf32, #tpu.memory_space<hbm>>
      tpu.enqueue_dma source(%dma_start3A_15 : memref<640x128xf32, #tpu.memory_space<hbm>>) target(%dma_start3A_9 : memref<640x128xf32, #tpu.memory_space<vmem_shared>>) target_semaphore(%run_scoped3A : memref<!tpu.dma_semaphore, #tpu.memory_space<semaphore_mem>>)
      %dma_wait3A = arith.constant 0 : i32
      %dma_wait3A_16 = tpu.memref_slice %arg10[%mul3A_0, %dma_wait3A] : memref<10240x128xf32, #tpu.memory_space<vmem_shared>> -> memref<640x128xf32, #tpu.memory_space<vmem_shared>>
      %dma_wait3A_17 = arith.constant 0 : i32
      %dma_wait3A_18 = arith.constant 0 : i32
      %dma_wait3A_19 = tpu.memref_slice %arg4[%arg0, %dma_wait3A_17, %dma_wait3A_18] : memref<2x10240x128xf32, #tpu.memory_space<hbm>> -> memref<1x10240x128xf32, #tpu.memory_space<hbm>>
      %dma_wait3A_20 = tpu.memref_squeeze %dma_wait3A_19 : memref<1x10240x128xf32, #tpu.memory_space<hbm>> -> memref<10240x128xf32, #tpu.memory_space<hbm>>
      %dma_wait3A_21 = arith.constant 0 : i32
      %dma_wait3A_22 = tpu.memref_slice %dma_wait3A_20[%mul3A_0, %dma_wait3A_21] : memref<10240x128xf32, #tpu.memory_space<hbm>> -> memref<640x128xf32, #tpu.memory_space<hbm>>
      tpu.wait_dma2 semaphore(%run_scoped3A : memref<!tpu.dma_semaphore, #tpu.memory_space<semaphore_mem>>) src(%dma_wait3A_22 : memref<640x128xf32, #tpu.memory_space<hbm>>) dst(%dma_wait3A_16 : memref<640x128xf32, #tpu.memory_space<vmem_shared>>)
      tpu.yield
    }) : () -> ()
    %barrier3A = arith.constant 0 : index
    tpu.barrier barrier_id(%barrier3A)
    %mul3A_1 = arith.constant 1 : i32
    %mul3A_2 = arith.muli %arg0, %mul3A_1 : i32
    %scan3A = arith.constant 0 : i32
    %scan3A_3 = arith.constant 0 : i32
    %scan3A_4 = arith.constant 4 : i32
    %scan3A_5 = arith.addi %scan3A_3, %scan3A_4 : i32
    %scan3A_6 = arith.constant 1 : i32
    scf.for %scan3A_9 = %scan3A_3 to %scan3A_5 step %scan3A_6  : i32 {
      %mul3A_10 = arith.constant 40 : i32
      %mul3A_11 = arith.muli %scan3A_9, %mul3A_10 : i32
      "tpu.region"() ({
        %run_scoped3A = tpu.sem_alloc : memref<!tpu.dma_semaphore, #tpu.memory_space<semaphore_mem>>
        %dma_start3A_69 = arith.constant 0 : i32
        %dma_start3A_70 = arith.constant 0 : i32
        %dma_start3A_71 = tpu.memref_slice %arg2[%arg1, %dma_start3A_69, %dma_start3A_70] : memref<16x160x128xi32, #tpu.memory_space<hbm>> -> memref<1x160x128xi32, #tpu.memory_space<hbm>>
        %dma_start3A_72 = tpu.memref_squeeze %dma_start3A_71 : memref<1x160x128xi32, #tpu.memory_space<hbm>> -> memref<160x128xi32, #tpu.memory_space<hbm>>
        %dma_start3A_73 = arith.constant 0 : i32
        %dma_start3A_74 = tpu.memref_slice %dma_start3A_72[%mul3A_11, %dma_start3A_73] : memref<160x128xi32, #tpu.memory_space<hbm>> -> memref<40x128xi32, #tpu.memory_space<hbm>>
        %dma_start3A_75 = arith.constant 0 : i32
        %dma_start3A_76 = arith.constant 0 : i32
        %dma_start3A_77 = tpu.memref_slice %arg2[%arg1, %dma_start3A_75, %dma_start3A_76] : memref<16x160x128xi32, #tpu.memory_space<hbm>> -> memref<1x160x128xi32, #tpu.memory_space<hbm>>
        %dma_start3A_78 = tpu.memref_squeeze %dma_start3A_77 : memref<1x160x128xi32, #tpu.memory_space<hbm>> -> memref<160x128xi32, #tpu.memory_space<hbm>>
        %dma_start3A_79 = arith.constant 0 : i32
        %dma_start3A_80 = tpu.memref_slice %dma_start3A_78[%mul3A_11, %dma_start3A_79] : memref<160x128xi32, #tpu.memory_space<hbm>> -> memref<40x128xi32, #tpu.memory_space<hbm>>
        tpu.enqueue_dma source(%dma_start3A_80 : memref<40x128xi32, #tpu.memory_space<hbm>>) target(%arg6 : memref<40x128xi32, #tpu.memory_space<vmem>>) target_semaphore(%run_scoped3A : memref<!tpu.dma_semaphore, #tpu.memory_space<semaphore_mem>>)
        %dma_wait3A_81 = arith.constant 0 : i32
        %dma_wait3A_82 = arith.constant 0 : i32
        %dma_wait3A_83 = tpu.memref_slice %arg2[%arg1, %dma_wait3A_81, %dma_wait3A_82] : memref<16x160x128xi32, #tpu.memory_space<hbm>> -> memref<1x160x128xi32, #tpu.memory_space<hbm>>
        %dma_wait3A_84 = tpu.memref_squeeze %dma_wait3A_83 : memref<1x160x128xi32, #tpu.memory_space<hbm>> -> memref<160x128xi32, #tpu.memory_space<hbm>>
        %dma_wait3A_85 = arith.constant 0 : i32
        %dma_wait3A_86 = tpu.memref_slice %dma_wait3A_84[%mul3A_11, %dma_wait3A_85] : memref<160x128xi32, #tpu.memory_space<hbm>> -> memref<40x128xi32, #tpu.memory_space<hbm>>
        %dma_wait3A_87 = arith.constant 0 : i32
        %dma_wait3A_88 = arith.constant 0 : i32
        %dma_wait3A_89 = tpu.memref_slice %arg2[%arg1, %dma_wait3A_87, %dma_wait3A_88] : memref<16x160x128xi32, #tpu.memory_space<hbm>> -> memref<1x160x128xi32, #tpu.memory_space<hbm>>
        %dma_wait3A_90 = tpu.memref_squeeze %dma_wait3A_89 : memref<1x160x128xi32, #tpu.memory_space<hbm>> -> memref<160x128xi32, #tpu.memory_space<hbm>>
        %dma_wait3A_91 = arith.constant 0 : i32
        %dma_wait3A_92 = tpu.memref_slice %dma_wait3A_90[%mul3A_11, %dma_wait3A_91] : memref<160x128xi32, #tpu.memory_space<hbm>> -> memref<40x128xi32, #tpu.memory_space<hbm>>
        tpu.wait_dma2 semaphore(%run_scoped3A : memref<!tpu.dma_semaphore, #tpu.memory_space<semaphore_mem>>) src(%dma_wait3A_92 : memref<40x128xi32, #tpu.memory_space<hbm>>) dst(%arg6 : memref<40x128xi32, #tpu.memory_space<vmem>>)
        tpu.yield
      }) : () -> ()
      %mul3A_12 = arith.constant 40 : i32
      %mul3A_13 = arith.muli %scan3A_9, %mul3A_12 : i32
      "tpu.region"() ({
        %run_scoped3A = tpu.sem_alloc : memref<!tpu.dma_semaphore, #tpu.memory_space<semaphore_mem>>
        %dma_start3A_69 = arith.constant 0 : i32
        %dma_start3A_70 = arith.constant 0 : i32
        %dma_start3A_71 = tpu.memref_slice %arg3[%arg1, %dma_start3A_69, %dma_start3A_70] : memref<16x160x128xi32, #tpu.memory_space<hbm>> -> memref<1x160x128xi32, #tpu.memory_space<hbm>>
        %dma_start3A_72 = tpu.memref_squeeze %dma_start3A_71 : memref<1x160x128xi32, #tpu.memory_space<hbm>> -> memref<160x128xi32, #tpu.memory_space<hbm>>
        %dma_start3A_73 = arith.constant 0 : i32
        %dma_start3A_74 = tpu.memref_slice %dma_start3A_72[%mul3A_13, %dma_start3A_73] : memref<160x128xi32, #tpu.memory_space<hbm>> -> memref<40x128xi32, #tpu.memory_space<hbm>>
        %dma_start3A_75 = arith.constant 0 : i32
        %dma_start3A_76 = arith.constant 0 : i32
        %dma_start3A_77 = tpu.memref_slice %arg3[%arg1, %dma_start3A_75, %dma_start3A_76] : memref<16x160x128xi32, #tpu.memory_space<hbm>> -> memref<1x160x128xi32, #tpu.memory_space<hbm>>
        %dma_start3A_78 = tpu.memref_squeeze %dma_start3A_77 : memref<1x160x128xi32, #tpu.memory_space<hbm>> -> memref<160x128xi32, #tpu.memory_space<hbm>>
        %dma_start3A_79 = arith.constant 0 : i32
        %dma_start3A_80 = tpu.memref_slice %dma_start3A_78[%mul3A_13, %dma_start3A_79] : memref<160x128xi32, #tpu.memory_space<hbm>> -> memref<40x128xi32, #tpu.memory_space<hbm>>
        tpu.enqueue_dma source(%dma_start3A_80 : memref<40x128xi32, #tpu.memory_space<hbm>>) target(%arg7 : memref<40x128xi32, #tpu.memory_space<vmem>>) target_semaphore(%run_scoped3A : memref<!tpu.dma_semaphore, #tpu.memory_space<semaphore_mem>>)
        %dma_wait3A_81 = arith.constant 0 : i32
        %dma_wait3A_82 = arith.constant 0 : i32
        %dma_wait3A_83 = tpu.memref_slice %arg3[%arg1, %dma_wait3A_81, %dma_wait3A_82] : memref<16x160x128xi32, #tpu.memory_space<hbm>> -> memref<1x160x128xi32, #tpu.memory_space<hbm>>
        %dma_wait3A_84 = tpu.memref_squeeze %dma_wait3A_83 : memref<1x160x128xi32, #tpu.memory_space<hbm>> -> memref<160x128xi32, #tpu.memory_space<hbm>>
        %dma_wait3A_85 = arith.constant 0 : i32
        %dma_wait3A_86 = tpu.memref_slice %dma_wait3A_84[%mul3A_13, %dma_wait3A_85] : memref<160x128xi32, #tpu.memory_space<hbm>> -> memref<40x128xi32, #tpu.memory_space<hbm>>
        %dma_wait3A_87 = arith.constant 0 : i32
        %dma_wait3A_88 = arith.constant 0 : i32
        %dma_wait3A_89 = tpu.memref_slice %arg3[%arg1, %dma_wait3A_87, %dma_wait3A_88] : memref<16x160x128xi32, #tpu.memory_space<hbm>> -> memref<1x160x128xi32, #tpu.memory_space<hbm>>
        %dma_wait3A_90 = tpu.memref_squeeze %dma_wait3A_89 : memref<1x160x128xi32, #tpu.memory_space<hbm>> -> memref<160x128xi32, #tpu.memory_space<hbm>>
        %dma_wait3A_91 = arith.constant 0 : i32
        %dma_wait3A_92 = tpu.memref_slice %dma_wait3A_90[%mul3A_13, %dma_wait3A_91] : memref<160x128xi32, #tpu.memory_space<hbm>> -> memref<40x128xi32, #tpu.memory_space<hbm>>
        tpu.wait_dma2 semaphore(%run_scoped3A : memref<!tpu.dma_semaphore, #tpu.memory_space<semaphore_mem>>) src(%dma_wait3A_92 : memref<40x128xi32, #tpu.memory_space<hbm>>) dst(%arg7 : memref<40x128xi32, #tpu.memory_space<vmem>>)
        tpu.yield
      }) : () -> ()
      %add3A = arith.constant 0 : i32
      %add3A_14 = arith.addi %mul3A_2, %add3A : i32
      %dma_start3A = arith.constant 0 : i32
      %dma_start3A_15 = tpu.memref_slice %arg6[%add3A_14, %dma_start3A] : memref<40x128xi32, #tpu.memory_space<vmem>> -> memref<1x128xi32, #tpu.memory_space<vmem>>
      %dma_start3A_16 = tpu.memref_squeeze %dma_start3A_15 : memref<1x128xi32, #tpu.memory_space<vmem>> -> memref<128xi32, #tpu.memory_space<vmem>>
      %dma_start3A_17 = arith.constant 0 : i32
      %dma_start3A_18 = arith.constant 0 : i32
      %dma_start3A_19 = tpu.memref_slice %arg4[%arg0, %dma_start3A_17, %dma_start3A_18] : memref<2x10240x128xf32, #tpu.memory_space<hbm>> -> memref<1x10240x128xf32, #tpu.memory_space<hbm>>
      %dma_start3A_20 = tpu.memref_squeeze %dma_start3A_19 : memref<1x10240x128xf32, #tpu.memory_space<hbm>> -> memref<10240x128xf32, #tpu.memory_space<hbm>>
      %dma_start3A_21 = arith.constant 0 : i32
      %dma_start3A_22 = arith.constant 0 : i32
      %dma_start3A_23 = tpu.memref_slice %dma_start3A_20[%dma_start3A_21, %dma_start3A_22] : memref<10240x128xf32, #tpu.memory_space<hbm>> -> memref<10240x128xf32, #tpu.memory_space<hbm>>
      tpu.enqueue_indirect_dma source(%dma_start3A_23 : memref<10240x128xf32, #tpu.memory_space<hbm>>) target(%arg8 : memref<128x128xf32, #tpu.memory_space<vmem>>) offsets(%dma_start3A_16 : memref<128xi32, #tpu.memory_space<vmem>>) semaphore(%arg11 : memref<!tpu.dma_semaphore, #tpu.memory_space<semaphore_mem>>)
      %add3A_24 = arith.constant 2 : i32
      %add3A_25 = arith.addi %mul3A_2, %add3A_24 : i32
      %dma_start3A_26 = arith.constant 0 : i32
      %dma_start3A_27 = tpu.memref_slice %arg6[%add3A_25, %dma_start3A_26] : memref<40x128xi32, #tpu.memory_space<vmem>> -> memref<1x128xi32, #tpu.memory_space<vmem>>
      %dma_start3A_28 = tpu.memref_squeeze %dma_start3A_27 : memref<1x128xi32, #tpu.memory_space<vmem>> -> memref<128xi32, #tpu.memory_space<vmem>>
      %dma_start3A_29 = arith.constant 0 : i32
      %dma_start3A_30 = arith.constant 0 : i32
      %dma_start3A_31 = tpu.memref_slice %arg4[%arg0, %dma_start3A_29, %dma_start3A_30] : memref<2x10240x128xf32, #tpu.memory_space<hbm>> -> memref<1x10240x128xf32, #tpu.memory_space<hbm>>
      %dma_start3A_32 = tpu.memref_squeeze %dma_start3A_31 : memref<1x10240x128xf32, #tpu.memory_space<hbm>> -> memref<10240x128xf32, #tpu.memory_space<hbm>>
      %dma_start3A_33 = arith.constant 0 : i32
      %dma_start3A_34 = arith.constant 0 : i32
      %dma_start3A_35 = tpu.memref_slice %dma_start3A_32[%dma_start3A_33, %dma_start3A_34] : memref<10240x128xf32, #tpu.memory_space<hbm>> -> memref<10240x128xf32, #tpu.memory_space<hbm>>
      tpu.enqueue_indirect_dma source(%dma_start3A_35 : memref<10240x128xf32, #tpu.memory_space<hbm>>) target(%arg9 : memref<128x128xf32, #tpu.memory_space<vmem>>) offsets(%dma_start3A_28 : memref<128xi32, #tpu.memory_space<vmem>>) semaphore(%arg12 : memref<!tpu.dma_semaphore, #tpu.memory_space<semaphore_mem>>)
      %scan3A_36 = arith.constant 0 : i32
      %scan3A_37 = arith.constant 0 : i32
      %scan3A_38 = arith.constant 9 : i32
      %scan3A_39 = arith.addi %scan3A_37, %scan3A_38 : i32
      %scan3A_40 = arith.constant 1 : i32
      scf.for %scan3A_69 = %scan3A_37 to %scan3A_39 step %scan3A_40  : i32 {
        %mul3A_70 = arith.constant 2 : i32
        %mul3A_71 = arith.muli %mul3A_70, %scan3A_69 : i32
        %mul3A_72 = arith.constant 2 : i32
        %mul3A_73 = arith.muli %mul3A_72, %mul3A_71 : i32
        %add3A_74 = arith.addi %mul3A_2, %mul3A_73 : i32
        %dma_wait3A_75 = arith.constant 0 : i32
        %dma_wait3A_76 = tpu.memref_slice %arg6[%add3A_74, %dma_wait3A_75] : memref<40x128xi32, #tpu.memory_space<vmem>> -> memref<1x128xi32, #tpu.memory_space<vmem>>
        %dma_wait3A_77 = tpu.memref_squeeze %dma_wait3A_76 : memref<1x128xi32, #tpu.memory_space<vmem>> -> memref<128xi32, #tpu.memory_space<vmem>>
        %dma_wait3A_78 = arith.constant 0 : i32
        %dma_wait3A_79 = arith.constant 0 : i32
        %dma_wait3A_80 = tpu.memref_slice %arg4[%arg0, %dma_wait3A_78, %dma_wait3A_79] : memref<2x10240x128xf32, #tpu.memory_space<hbm>> -> memref<1x10240x128xf32, #tpu.memory_space<hbm>>
        %dma_wait3A_81 = tpu.memref_squeeze %dma_wait3A_80 : memref<1x10240x128xf32, #tpu.memory_space<hbm>> -> memref<10240x128xf32, #tpu.memory_space<hbm>>
        %dma_wait3A_82 = arith.constant 0 : i32
        %dma_wait3A_83 = arith.constant 0 : i32
        %dma_wait3A_84 = tpu.memref_slice %dma_wait3A_81[%dma_wait3A_82, %dma_wait3A_83] : memref<10240x128xf32, #tpu.memory_space<hbm>> -> memref<10240x128xf32, #tpu.memory_space<hbm>>
        tpu.wait_indirect_dma semaphore(%arg11 : memref<!tpu.dma_semaphore, #tpu.memory_space<semaphore_mem>>) src(%dma_wait3A_84 : memref<10240x128xf32, #tpu.memory_space<hbm>>) dst(%arg8 : memref<128x128xf32, #tpu.memory_space<vmem>>)
        %mul3A_85 = arith.constant 2 : i32
        %mul3A_86 = arith.muli %mul3A_85, %mul3A_71 : i32
        %add3A_87 = arith.addi %mul3A_2, %mul3A_86 : i32
        "tpu.region"() ({
          %run_scoped3A = tpu.sem_alloc : memref<!tpu.dma_semaphore, #tpu.memory_space<semaphore_mem>>
          %dma_start3A_138 = arith.constant 0 : i32
          %dma_start3A_139 = tpu.memref_slice %arg7[%add3A_87, %dma_start3A_138] : memref<40x128xi32, #tpu.memory_space<vmem>> -> memref<1x128xi32, #tpu.memory_space<vmem>>
          %dma_start3A_140 = tpu.memref_squeeze %dma_start3A_139 : memref<1x128xi32, #tpu.memory_space<vmem>> -> memref<128xi32, #tpu.memory_space<vmem>>
          %dma_start3A_141 = arith.constant 0 : i32
          %dma_start3A_142 = arith.constant 0 : i32
          %dma_start3A_143 = tpu.memref_slice %arg10[%dma_start3A_141, %dma_start3A_142] : memref<10240x128xf32, #tpu.memory_space<vmem_shared>> -> memref<10240x128xf32, #tpu.memory_space<vmem_shared>>
          tpu.enqueue_indirect_dma source(%arg8 : memref<128x128xf32, #tpu.memory_space<vmem>>) target(%dma_start3A_143 : memref<10240x128xf32, #tpu.memory_space<vmem_shared>>) offsets(%dma_start3A_140 : memref<128xi32, #tpu.memory_space<vmem>>) semaphore(%run_scoped3A : memref<!tpu.dma_semaphore, #tpu.memory_space<semaphore_mem>>) {add = true}
          %dma_wait3A_144 = arith.constant 0 : i32
          %dma_wait3A_145 = tpu.memref_slice %arg7[%add3A_87, %dma_wait3A_144] : memref<40x128xi32, #tpu.memory_space<vmem>> -> memref<1x128xi32, #tpu.memory_space<vmem>>
          %dma_wait3A_146 = tpu.memref_squeeze %dma_wait3A_145 : memref<1x128xi32, #tpu.memory_space<vmem>> -> memref<128xi32, #tpu.memory_space<vmem>>
          %dma_wait3A_147 = arith.constant 0 : i32
          %dma_wait3A_148 = arith.constant 0 : i32
          %dma_wait3A_149 = tpu.memref_slice %arg10[%dma_wait3A_147, %dma_wait3A_148] : memref<10240x128xf32, #tpu.memory_space<vmem_shared>> -> memref<10240x128xf32, #tpu.memory_space<vmem_shared>>
          tpu.wait_indirect_dma semaphore(%run_scoped3A : memref<!tpu.dma_semaphore, #tpu.memory_space<semaphore_mem>>) src(%arg8 : memref<128x128xf32, #tpu.memory_space<vmem>>) dst(%dma_wait3A_149 : memref<10240x128xf32, #tpu.memory_space<vmem_shared>>)
          tpu.yield
        }) : () -> ()
        %add3A_88 = arith.constant 2 : i32
        %add3A_89 = arith.addi %mul3A_71, %add3A_88 : i32
        %mul3A_90 = arith.constant 2 : i32
        %mul3A_91 = arith.muli %mul3A_90, %add3A_89 : i32
        %add3A_92 = arith.addi %mul3A_2, %mul3A_91 : i32
        %dma_start3A_93 = arith.constant 0 : i32
        %dma_start3A_94 = tpu.memref_slice %arg6[%add3A_92, %dma_start3A_93] : memref<40x128xi32, #tpu.memory_space<vmem>> -> memref<1x128xi32, #tpu.memory_space<vmem>>
        %dma_start3A_95 = tpu.memref_squeeze %dma_start3A_94 : memref<1x128xi32, #tpu.memory_space<vmem>> -> memref<128xi32, #tpu.memory_space<vmem>>
        %dma_start3A_96 = arith.constant 0 : i32
        %dma_start3A_97 = arith.constant 0 : i32
        %dma_start3A_98 = tpu.memref_slice %arg4[%arg0, %dma_start3A_96, %dma_start3A_97] : memref<2x10240x128xf32, #tpu.memory_space<hbm>> -> memref<1x10240x128xf32, #tpu.memory_space<hbm>>
        %dma_start3A_99 = tpu.memref_squeeze %dma_start3A_98 : memref<1x10240x128xf32, #tpu.memory_space<hbm>> -> memref<10240x128xf32, #tpu.memory_space<hbm>>
        %dma_start3A_100 = arith.constant 0 : i32
        %dma_start3A_101 = arith.constant 0 : i32
        %dma_start3A_102 = tpu.memref_slice %dma_start3A_99[%dma_start3A_100, %dma_start3A_101] : memref<10240x128xf32, #tpu.memory_space<hbm>> -> memref<10240x128xf32, #tpu.memory_space<hbm>>
        tpu.enqueue_indirect_dma source(%dma_start3A_102 : memref<10240x128xf32, #tpu.memory_space<hbm>>) target(%arg8 : memref<128x128xf32, #tpu.memory_space<vmem>>) offsets(%dma_start3A_95 : memref<128xi32, #tpu.memory_space<vmem>>) semaphore(%arg11 : memref<!tpu.dma_semaphore, #tpu.memory_space<semaphore_mem>>)
        %add3A_103 = arith.constant 1 : i32
        %add3A_104 = arith.addi %mul3A_71, %add3A_103 : i32
        %mul3A_105 = arith.constant 2 : i32
        %mul3A_106 = arith.muli %mul3A_105, %add3A_104 : i32
        %add3A_107 = arith.addi %mul3A_2, %mul3A_106 : i32
        %dma_wait3A_108 = arith.constant 0 : i32
        %dma_wait3A_109 = tpu.memref_slice %arg6[%add3A_107, %dma_wait3A_108] : memref<40x128xi32, #tpu.memory_space<vmem>> -> memref<1x128xi32, #tpu.memory_space<vmem>>
        %dma_wait3A_110 = tpu.memref_squeeze %dma_wait3A_109 : memref<1x128xi32, #tpu.memory_space<vmem>> -> memref<128xi32, #tpu.memory_space<vmem>>
        %dma_wait3A_111 = arith.constant 0 : i32
        %dma_wait3A_112 = arith.constant 0 : i32
        %dma_wait3A_113 = tpu.memref_slice %arg4[%arg0, %dma_wait3A_111, %dma_wait3A_112] : memref<2x10240x128xf32, #tpu.memory_space<hbm>> -> memref<1x10240x128xf32, #tpu.memory_space<hbm>>
        %dma_wait3A_114 = tpu.memref_squeeze %dma_wait3A_113 : memref<1x10240x128xf32, #tpu.memory_space<hbm>> -> memref<10240x128xf32, #tpu.memory_space<hbm>>
        %dma_wait3A_115 = arith.constant 0 : i32
        %dma_wait3A_116 = arith.constant 0 : i32
        %dma_wait3A_117 = tpu.memref_slice %dma_wait3A_114[%dma_wait3A_115, %dma_wait3A_116] : memref<10240x128xf32, #tpu.memory_space<hbm>> -> memref<10240x128xf32, #tpu.memory_space<hbm>>
        tpu.wait_indirect_dma semaphore(%arg12 : memref<!tpu.dma_semaphore, #tpu.memory_space<semaphore_mem>>) src(%dma_wait3A_117 : memref<10240x128xf32, #tpu.memory_space<hbm>>) dst(%arg9 : memref<128x128xf32, #tpu.memory_space<vmem>>)
        %add3A_118 = arith.constant 1 : i32
        %add3A_119 = arith.addi %mul3A_71, %add3A_118 : i32
        %mul3A_120 = arith.constant 2 : i32
        %mul3A_121 = arith.muli %mul3A_120, %add3A_119 : i32
        %add3A_122 = arith.addi %mul3A_2, %mul3A_121 : i32
        "tpu.region"() ({
          %run_scoped3A = tpu.sem_alloc : memref<!tpu.dma_semaphore, #tpu.memory_space<semaphore_mem>>
          %dma_start3A_138 = arith.constant 0 : i32
          %dma_start3A_139 = tpu.memref_slice %arg7[%add3A_122, %dma_start3A_138] : memref<40x128xi32, #tpu.memory_space<vmem>> -> memref<1x128xi32, #tpu.memory_space<vmem>>
          %dma_start3A_140 = tpu.memref_squeeze %dma_start3A_139 : memref<1x128xi32, #tpu.memory_space<vmem>> -> memref<128xi32, #tpu.memory_space<vmem>>
          %dma_start3A_141 = arith.constant 0 : i32
          %dma_start3A_142 = arith.constant 0 : i32
          %dma_start3A_143 = tpu.memref_slice %arg10[%dma_start3A_141, %dma_start3A_142] : memref<10240x128xf32, #tpu.memory_space<vmem_shared>> -> memref<10240x128xf32, #tpu.memory_space<vmem_shared>>
          tpu.enqueue_indirect_dma source(%arg9 : memref<128x128xf32, #tpu.memory_space<vmem>>) target(%dma_start3A_143 : memref<10240x128xf32, #tpu.memory_space<vmem_shared>>) offsets(%dma_start3A_140 : memref<128xi32, #tpu.memory_space<vmem>>) semaphore(%run_scoped3A : memref<!tpu.dma_semaphore, #tpu.memory_space<semaphore_mem>>) {add = true}
          %dma_wait3A_144 = arith.constant 0 : i32
          %dma_wait3A_145 = tpu.memref_slice %arg7[%add3A_122, %dma_wait3A_144] : memref<40x128xi32, #tpu.memory_space<vmem>> -> memref<1x128xi32, #tpu.memory_space<vmem>>
          %dma_wait3A_146 = tpu.memref_squeeze %dma_wait3A_145 : memref<1x128xi32, #tpu.memory_space<vmem>> -> memref<128xi32, #tpu.memory_space<vmem>>
          %dma_wait3A_147 = arith.constant 0 : i32
          %dma_wait3A_148 = arith.constant 0 : i32
          %dma_wait3A_149 = tpu.memref_slice %arg10[%dma_wait3A_147, %dma_wait3A_148] : memref<10240x128xf32, #tpu.memory_space<vmem_shared>> -> memref<10240x128xf32, #tpu.memory_space<vmem_shared>>
          tpu.wait_indirect_dma semaphore(%run_scoped3A : memref<!tpu.dma_semaphore, #tpu.memory_space<semaphore_mem>>) src(%arg9 : memref<128x128xf32, #tpu.memory_space<vmem>>) dst(%dma_wait3A_149 : memref<10240x128xf32, #tpu.memory_space<vmem_shared>>)
          tpu.yield
        }) : () -> ()
        %add3A_123 = arith.constant 3 : i32
        %add3A_124 = arith.addi %mul3A_71, %add3A_123 : i32
        %mul3A_125 = arith.constant 2 : i32
        %mul3A_126 = arith.muli %mul3A_125, %add3A_124 : i32
        %add3A_127 = arith.addi %mul3A_2, %mul3A_126 : i32
        %dma_start3A_128 = arith.constant 0 : i32
        %dma_start3A_129 = tpu.memref_slice %arg6[%add3A_127, %dma_start3A_128] : memref<40x128xi32, #tpu.memory_space<vmem>> -> memref<1x128xi32, #tpu.memory_space<vmem>>
        %dma_start3A_130 = tpu.memref_squeeze %dma_start3A_129 : memref<1x128xi32, #tpu.memory_space<vmem>> -> memref<128xi32, #tpu.memory_space<vmem>>
        %dma_start3A_131 = arith.constant 0 : i32
        %dma_start3A_132 = arith.constant 0 : i32
        %dma_start3A_133 = tpu.memref_slice %arg4[%arg0, %dma_start3A_131, %dma_start3A_132] : memref<2x10240x128xf32, #tpu.memory_space<hbm>> -> memref<1x10240x128xf32, #tpu.memory_space<hbm>>
        %dma_start3A_134 = tpu.memref_squeeze %dma_start3A_133 : memref<1x10240x128xf32, #tpu.memory_space<hbm>> -> memref<10240x128xf32, #tpu.memory_space<hbm>>
        %dma_start3A_135 = arith.constant 0 : i32
        %dma_start3A_136 = arith.constant 0 : i32
        %dma_start3A_137 = tpu.memref_slice %dma_start3A_134[%dma_start3A_135, %dma_start3A_136] : memref<10240x128xf32, #tpu.memory_space<hbm>> -> memref<10240x128xf32, #tpu.memory_space<hbm>>
        tpu.enqueue_indirect_dma source(%dma_start3A_137 : memref<10240x128xf32, #tpu.memory_space<hbm>>) target(%arg9 : memref<128x128xf32, #tpu.memory_space<vmem>>) offsets(%dma_start3A_130 : memref<128xi32, #tpu.memory_space<vmem>>) semaphore(%arg12 : memref<!tpu.dma_semaphore, #tpu.memory_space<semaphore_mem>>)
      }
      %scan3A_41 = arith.constant 9 : i32
      %add3A_42 = arith.constant 36 : i32
      %add3A_43 = arith.addi %mul3A_2, %add3A_42 : i32
      %dma_wait3A = arith.constant 0 : i32
      %dma_wait3A_44 = tpu.memref_slice %arg6[%add3A_43, %dma_wait3A] : memref<40x128xi32, #tpu.memory_space<vmem>> -> memref<1x128xi32, #tpu.memory_space<vmem>>
      %dma_wait3A_45 = tpu.memref_squeeze %dma_wait3A_44 : memref<1x128xi32, #tpu.memory_space<vmem>> -> memref<128xi32, #tpu.memory_space<vmem>>
      %dma_wait3A_46 = arith.constant 0 : i32
      %dma_wait3A_47 = arith.constant 0 : i32
      %dma_wait3A_48 = tpu.memref_slice %arg4[%arg0, %dma_wait3A_46, %dma_wait3A_47] : memref<2x10240x128xf32, #tpu.memory_space<hbm>> -> memref<1x10240x128xf32, #tpu.memory_space<hbm>>
      %dma_wait3A_49 = tpu.memref_squeeze %dma_wait3A_48 : memref<1x10240x128xf32, #tpu.memory_space<hbm>> -> memref<10240x128xf32, #tpu.memory_space<hbm>>
      %dma_wait3A_50 = arith.constant 0 : i32
      %dma_wait3A_51 = arith.constant 0 : i32
      %dma_wait3A_52 = tpu.memref_slice %dma_wait3A_49[%dma_wait3A_50, %dma_wait3A_51] : memref<10240x128xf32, #tpu.memory_space<hbm>> -> memref<10240x128xf32, #tpu.memory_space<hbm>>
      tpu.wait_indirect_dma semaphore(%arg11 : memref<!tpu.dma_semaphore, #tpu.memory_space<semaphore_mem>>) src(%dma_wait3A_52 : memref<10240x128xf32, #tpu.memory_space<hbm>>) dst(%arg8 : memref<128x128xf32, #tpu.memory_space<vmem>>)
      %add3A_53 = arith.constant 36 : i32
      %add3A_54 = arith.addi %mul3A_2, %add3A_53 : i32
      "tpu.region"() ({
        %run_scoped3A = tpu.sem_alloc : memref<!tpu.dma_semaphore, #tpu.memory_space<semaphore_mem>>
        %dma_start3A_69 = arith.constant 0 : i32
        %dma_start3A_70 = tpu.memref_slice %arg7[%add3A_54, %dma_start3A_69] : memref<40x128xi32, #tpu.memory_space<vmem>> -> memref<1x128xi32, #tpu.memory_space<vmem>>
        %dma_start3A_71 = tpu.memref_squeeze %dma_start3A_70 : memref<1x128xi32, #tpu.memory_space<vmem>> -> memref<128xi32, #tpu.memory_space<vmem>>
        %dma_start3A_72 = arith.constant 0 : i32
        %dma_start3A_73 = arith.constant 0 : i32
        %dma_start3A_74 = tpu.memref_slice %arg10[%dma_start3A_72, %dma_start3A_73] : memref<10240x128xf32, #tpu.memory_space<vmem_shared>> -> memref<10240x128xf32, #tpu.memory_space<vmem_shared>>
        tpu.enqueue_indirect_dma source(%arg8 : memref<128x128xf32, #tpu.memory_space<vmem>>) target(%dma_start3A_74 : memref<10240x128xf32, #tpu.memory_space<vmem_shared>>) offsets(%dma_start3A_71 : memref<128xi32, #tpu.memory_space<vmem>>) semaphore(%run_scoped3A : memref<!tpu.dma_semaphore, #tpu.memory_space<semaphore_mem>>) {add = true}
        %dma_wait3A_75 = arith.constant 0 : i32
        %dma_wait3A_76 = tpu.memref_slice %arg7[%add3A_54, %dma_wait3A_75] : memref<40x128xi32, #tpu.memory_space<vmem>> -> memref<1x128xi32, #tpu.memory_space<vmem>>
        %dma_wait3A_77 = tpu.memref_squeeze %dma_wait3A_76 : memref<1x128xi32, #tpu.memory_space<vmem>> -> memref<128xi32, #tpu.memory_space<vmem>>
        %dma_wait3A_78 = arith.constant 0 : i32
        %dma_wait3A_79 = arith.constant 0 : i32
        %dma_wait3A_80 = tpu.memref_slice %arg10[%dma_wait3A_78, %dma_wait3A_79] : memref<10240x128xf32, #tpu.memory_space<vmem_shared>> -> memref<10240x128xf32, #tpu.memory_space<vmem_shared>>
        tpu.wait_indirect_dma semaphore(%run_scoped3A : memref<!tpu.dma_semaphore, #tpu.memory_space<semaphore_mem>>) src(%arg8 : memref<128x128xf32, #tpu.memory_space<vmem>>) dst(%dma_wait3A_80 : memref<10240x128xf32, #tpu.memory_space<vmem_shared>>)
        tpu.yield
      }) : () -> ()
      %add3A_55 = arith.constant 38 : i32
      %add3A_56 = arith.addi %mul3A_2, %add3A_55 : i32
      %dma_wait3A_57 = arith.constant 0 : i32
      %dma_wait3A_58 = tpu.memref_slice %arg6[%add3A_56, %dma_wait3A_57] : memref<40x128xi32, #tpu.memory_space<vmem>> -> memref<1x128xi32, #tpu.memory_space<vmem>>
      %dma_wait3A_59 = tpu.memref_squeeze %dma_wait3A_58 : memref<1x128xi32, #tpu.memory_space<vmem>> -> memref<128xi32, #tpu.memory_space<vmem>>
      %dma_wait3A_60 = arith.constant 0 : i32
      %dma_wait3A_61 = arith.constant 0 : i32
      %dma_wait3A_62 = tpu.memref_slice %arg4[%arg0, %dma_wait3A_60, %dma_wait3A_61] : memref<2x10240x128xf32, #tpu.memory_space<hbm>> -> memref<1x10240x128xf32, #tpu.memory_space<hbm>>
      %dma_wait3A_63 = tpu.memref_squeeze %dma_wait3A_62 : memref<1x10240x128xf32, #tpu.memory_space<hbm>> -> memref<10240x128xf32, #tpu.memory_space<hbm>>
      %dma_wait3A_64 = arith.constant 0 : i32
      %dma_wait3A_65 = arith.constant 0 : i32
      %dma_wait3A_66 = tpu.memref_slice %dma_wait3A_63[%dma_wait3A_64, %dma_wait3A_65] : memref<10240x128xf32, #tpu.memory_space<hbm>> -> memref<10240x128xf32, #tpu.memory_space<hbm>>
      tpu.wait_indirect_dma semaphore(%arg12 : memref<!tpu.dma_semaphore, #tpu.memory_space<semaphore_mem>>) src(%dma_wait3A_66 : memref<10240x128xf32, #tpu.memory_space<hbm>>) dst(%arg9 : memref<128x128xf32, #tpu.memory_space<vmem>>)
      %add3A_67 = arith.constant 38 : i32
      %add3A_68 = arith.addi %mul3A_2, %add3A_67 : i32
      "tpu.region"() ({
        %run_scoped3A = tpu.sem_alloc : memref<!tpu.dma_semaphore, #tpu.memory_space<semaphore_mem>>
        %dma_start3A_69 = arith.constant 0 : i32
        %dma_start3A_70 = tpu.memref_slice %arg7[%add3A_68, %dma_start3A_69] : memref<40x128xi32, #tpu.memory_space<vmem>> -> memref<1x128xi32, #tpu.memory_space<vmem>>
        %dma_start3A_71 = tpu.memref_squeeze %dma_start3A_70 : memref<1x128xi32, #tpu.memory_space<vmem>> -> memref<128xi32, #tpu.memory_space<vmem>>
        %dma_start3A_72 = arith.constant 0 : i32
        %dma_start3A_73 = arith.constant 0 : i32
        %dma_start3A_74 = tpu.memref_slice %arg10[%dma_start3A_72, %dma_start3A_73] : memref<10240x128xf32, #tpu.memory_space<vmem_shared>> -> memref<10240x128xf32, #tpu.memory_space<vmem_shared>>
        tpu.enqueue_indirect_dma source(%arg9 : memref<128x128xf32, #tpu.memory_space<vmem>>) target(%dma_start3A_74 : memref<10240x128xf32, #tpu.memory_space<vmem_shared>>) offsets(%dma_start3A_71 : memref<128xi32, #tpu.memory_space<vmem>>) semaphore(%run_scoped3A : memref<!tpu.dma_semaphore, #tpu.memory_space<semaphore_mem>>) {add = true}
        %dma_wait3A_75 = arith.constant 0 : i32
        %dma_wait3A_76 = tpu.memref_slice %arg7[%add3A_68, %dma_wait3A_75] : memref<40x128xi32, #tpu.memory_space<vmem>> -> memref<1x128xi32, #tpu.memory_space<vmem>>
        %dma_wait3A_77 = tpu.memref_squeeze %dma_wait3A_76 : memref<1x128xi32, #tpu.memory_space<vmem>> -> memref<128xi32, #tpu.memory_space<vmem>>
        %dma_wait3A_78 = arith.constant 0 : i32
        %dma_wait3A_79 = arith.constant 0 : i32
        %dma_wait3A_80 = tpu.memref_slice %arg10[%dma_wait3A_78, %dma_wait3A_79] : memref<10240x128xf32, #tpu.memory_space<vmem_shared>> -> memref<10240x128xf32, #tpu.memory_space<vmem_shared>>
        tpu.wait_indirect_dma semaphore(%run_scoped3A : memref<!tpu.dma_semaphore, #tpu.memory_space<semaphore_mem>>) src(%arg9 : memref<128x128xf32, #tpu.memory_space<vmem>>) dst(%dma_wait3A_80 : memref<10240x128xf32, #tpu.memory_space<vmem_shared>>)
        tpu.yield
      }) : () -> ()
    }
    %scan3A_7 = arith.constant 4 : i32
    %barrier3A_8 = arith.constant 0 : index
    tpu.barrier barrier_id(%barrier3A_8)
    "tpu.region"() ({
      %run_scoped3A = tpu.sem_alloc : memref<!tpu.dma_semaphore, #tpu.memory_space<semaphore_mem>>
      %dma_start3A = arith.constant 0 : i32
      %dma_start3A_9 = arith.constant 0 : i32
      %dma_start3A_10 = tpu.memref_slice %arg5[%arg0, %dma_start3A, %dma_start3A_9] : memref<2x10240x128xf32, #tpu.memory_space<hbm>> -> memref<1x10240x128xf32, #tpu.memory_space<hbm>>
      %dma_start3A_11 = tpu.memref_squeeze %dma_start3A_10 : memref<1x10240x128xf32, #tpu.memory_space<hbm>> -> memref<10240x128xf32, #tpu.memory_space<hbm>>
      %dma_start3A_12 = arith.constant 0 : i32
      %dma_start3A_13 = tpu.memref_slice %dma_start3A_11[%mul3A_0, %dma_start3A_12] : memref<10240x128xf32, #tpu.memory_space<hbm>> -> memref<640x128xf32, #tpu.memory_space<hbm>>
      %dma_start3A_14 = arith.constant 0 : i32
      %dma_start3A_15 = tpu.memref_slice %arg10[%mul3A_0, %dma_start3A_14] : memref<10240x128xf32, #tpu.memory_space<vmem_shared>> -> memref<640x128xf32, #tpu.memory_space<vmem_shared>>
      tpu.enqueue_dma source(%dma_start3A_15 : memref<640x128xf32, #tpu.memory_space<vmem_shared>>) target(%dma_start3A_13 : memref<640x128xf32, #tpu.memory_space<hbm>>) target_semaphore(%run_scoped3A : memref<!tpu.dma_semaphore, #tpu.memory_space<semaphore_mem>>)
      %dma_wait3A = arith.constant 0 : i32
      %dma_wait3A_16 = arith.constant 0 : i32
      %dma_wait3A_17 = tpu.memref_slice %arg5[%arg0, %dma_wait3A, %dma_wait3A_16] : memref<2x10240x128xf32, #tpu.memory_space<hbm>> -> memref<1x10240x128xf32, #tpu.memory_space<hbm>>
      %dma_wait3A_18 = tpu.memref_squeeze %dma_wait3A_17 : memref<1x10240x128xf32, #tpu.memory_space<hbm>> -> memref<10240x128xf32, #tpu.memory_space<hbm>>
      %dma_wait3A_19 = arith.constant 0 : i32
      %dma_wait3A_20 = tpu.memref_slice %dma_wait3A_18[%mul3A_0, %dma_wait3A_19] : memref<10240x128xf32, #tpu.memory_space<hbm>> -> memref<640x128xf32, #tpu.memory_space<hbm>>
      %dma_wait3A_21 = arith.constant 0 : i32
      %dma_wait3A_22 = tpu.memref_slice %arg10[%mul3A_0, %dma_wait3A_21] : memref<10240x128xf32, #tpu.memory_space<vmem_shared>> -> memref<640x128xf32, #tpu.memory_space<vmem_shared>>
      tpu.wait_dma2 semaphore(%run_scoped3A : memref<!tpu.dma_semaphore, #tpu.memory_space<semaphore_mem>>) src(%dma_wait3A_22 : memref<640x128xf32, #tpu.memory_space<vmem_shared>>) dst(%dma_wait3A_20 : memref<640x128xf32, #tpu.memory_space<hbm>>)
      tpu.yield
    }) : () -> ()
    return
  }
}

#map = affine_map<(d0, d1) -> (0, 0)>
#map1 = affine_map<(d0, d1) -> (0)>
module attributes {stable_mosaic.version = 14 : i64} {
  func.func @_deg_kernel(%arg0: i32, %arg1: i32, %arg2: memref<32x10240xi32, #tpu.memory_space<hbm>>, %arg3: memref<10240xf32, #tpu.memory_space<hbm>>, %arg4: memref<32x10240xf32, #tpu.memory_space<hbm>>, %arg5: memref<10240xi32, #tpu.memory_space<vmem>>, %arg6: memref<10240xf32, #tpu.memory_space<vmem>>) attributes {dimension_semantics = [#tpu.dimension_semantics<core_parallel>, #tpu.dimension_semantics<subcore_parallel>], iteration_bounds = array<i64: 2, 16>, scalar_prefetch = 0 : i64, scratch_operands = 2 : i64, tpu.core_type = #tpu.core_type<sc_vector_subcore>, window_params = [{transform_indices = #map}, {transform_indices = #map1}, {transform_indices = #map}]} {
    %mul3A = arith.constant 2 : i32
    %mul3A_0 = arith.muli %arg1, %mul3A : i32
    %add3A = arith.addi %mul3A_0, %arg0 : i32
    "tpu.region"() ({
      %run_scoped3A = tpu.sem_alloc : memref<!tpu.dma_semaphore, #tpu.memory_space<semaphore_mem>>
      %dma_start3A = arith.constant 0 : i32
      %dma_start3A_7 = tpu.memref_slice %arg2[%add3A, %dma_start3A] : memref<32x10240xi32, #tpu.memory_space<hbm>> -> memref<1x10240xi32, #tpu.memory_space<hbm>>
      %dma_start3A_8 = tpu.memref_squeeze %dma_start3A_7 : memref<1x10240xi32, #tpu.memory_space<hbm>> -> memref<10240xi32, #tpu.memory_space<hbm>>
      %dma_start3A_9 = arith.constant 0 : i32
      %dma_start3A_10 = tpu.memref_slice %arg2[%add3A, %dma_start3A_9] : memref<32x10240xi32, #tpu.memory_space<hbm>> -> memref<1x10240xi32, #tpu.memory_space<hbm>>
      %dma_start3A_11 = tpu.memref_squeeze %dma_start3A_10 : memref<1x10240xi32, #tpu.memory_space<hbm>> -> memref<10240xi32, #tpu.memory_space<hbm>>
      tpu.enqueue_dma source(%dma_start3A_11 : memref<10240xi32, #tpu.memory_space<hbm>>) target(%arg5 : memref<10240xi32, #tpu.memory_space<vmem>>) target_semaphore(%run_scoped3A : memref<!tpu.dma_semaphore, #tpu.memory_space<semaphore_mem>>)
      %dma_wait3A = arith.constant 0 : i32
      %dma_wait3A_12 = tpu.memref_slice %arg2[%add3A, %dma_wait3A] : memref<32x10240xi32, #tpu.memory_space<hbm>> -> memref<1x10240xi32, #tpu.memory_space<hbm>>
      %dma_wait3A_13 = tpu.memref_squeeze %dma_wait3A_12 : memref<1x10240xi32, #tpu.memory_space<hbm>> -> memref<10240xi32, #tpu.memory_space<hbm>>
      %dma_wait3A_14 = arith.constant 0 : i32
      %dma_wait3A_15 = tpu.memref_slice %arg2[%add3A, %dma_wait3A_14] : memref<32x10240xi32, #tpu.memory_space<hbm>> -> memref<1x10240xi32, #tpu.memory_space<hbm>>
      %dma_wait3A_16 = tpu.memref_squeeze %dma_wait3A_15 : memref<1x10240xi32, #tpu.memory_space<hbm>> -> memref<10240xi32, #tpu.memory_space<hbm>>
      tpu.wait_dma2 semaphore(%run_scoped3A : memref<!tpu.dma_semaphore, #tpu.memory_space<semaphore_mem>>) src(%dma_wait3A_16 : memref<10240xi32, #tpu.memory_space<hbm>>) dst(%arg5 : memref<10240xi32, #tpu.memory_space<vmem>>)
      tpu.yield
    }) : () -> ()
    "tpu.region"() ({
      %run_scoped3A = tpu.sem_alloc : memref<!tpu.dma_semaphore, #tpu.memory_space<semaphore_mem>>
      tpu.enqueue_dma source(%arg3 : memref<10240xf32, #tpu.memory_space<hbm>>) target(%arg6 : memref<10240xf32, #tpu.memory_space<vmem>>) target_semaphore(%run_scoped3A : memref<!tpu.dma_semaphore, #tpu.memory_space<semaphore_mem>>)
      tpu.wait_dma2 semaphore(%run_scoped3A : memref<!tpu.dma_semaphore, #tpu.memory_space<semaphore_mem>>) src(%arg3 : memref<10240xf32, #tpu.memory_space<hbm>>) dst(%arg6 : memref<10240xf32, #tpu.memory_space<vmem>>)
      tpu.yield
    }) : () -> ()
    %broadcast_in_dim3A = arith.constant 1.000000e+00 : f32
    %broadcast_in_dim3A_1 = vector.broadcast %broadcast_in_dim3A : f32 to vector<16xf32>
    %scan3A = arith.constant 0 : i32
    %scan3A_2 = arith.constant 0 : i32
    %scan3A_3 = arith.constant 640 : i32
    %scan3A_4 = arith.addi %scan3A_2, %scan3A_3 : i32
    %scan3A_5 = arith.constant 1 : i32
    scf.for %scan3A_7 = %scan3A_2 to %scan3A_4 step %scan3A_5  : i32 {
      %mul3A_8 = arith.constant 16 : i32
      %mul3A_9 = arith.muli %scan3A_7, %mul3A_8 : i32
      %get3A = arith.index_cast %mul3A_9 : i32 to index
      %get3A_10 = tpu.vector_load %arg5[%get3A] {strides = array<i32>} : memref<10240xi32, #tpu.memory_space<vmem>>, vector<16xi32>,
      tpu.vector_store_idx %arg6[%get3A_10], %broadcast_in_dim3A_1 {add = true} : memref<10240xf32, #tpu.memory_space<vmem>>[vector<16xi32>], vector<16xf32>,
    }
    %scan3A_6 = arith.constant 640 : i32
    "tpu.region"() ({
      %run_scoped3A = tpu.sem_alloc : memref<!tpu.dma_semaphore, #tpu.memory_space<semaphore_mem>>
      %dma_start3A = arith.constant 0 : i32
      %dma_start3A_7 = tpu.memref_slice %arg4[%add3A, %dma_start3A] : memref<32x10240xf32, #tpu.memory_space<hbm>> -> memref<1x10240xf32, #tpu.memory_space<hbm>>
      %dma_start3A_8 = tpu.memref_squeeze %dma_start3A_7 : memref<1x10240xf32, #tpu.memory_space<hbm>> -> memref<10240xf32, #tpu.memory_space<hbm>>
      %dma_start3A_9 = arith.constant 0 : i32
      %dma_start3A_10 = tpu.memref_slice %arg4[%add3A, %dma_start3A_9] : memref<32x10240xf32, #tpu.memory_space<hbm>> -> memref<1x10240xf32, #tpu.memory_space<hbm>>
      %dma_start3A_11 = tpu.memref_squeeze %dma_start3A_10 : memref<1x10240xf32, #tpu.memory_space<hbm>> -> memref<10240xf32, #tpu.memory_space<hbm>>
      tpu.enqueue_dma source(%arg6 : memref<10240xf32, #tpu.memory_space<vmem>>) target(%dma_start3A_11 : memref<10240xf32, #tpu.memory_space<hbm>>) target_semaphore(%run_scoped3A : memref<!tpu.dma_semaphore, #tpu.memory_space<semaphore_mem>>)
      %dma_wait3A = arith.constant 0 : i32
      %dma_wait3A_12 = tpu.memref_slice %arg4[%add3A, %dma_wait3A] : memref<32x10240xf32, #tpu.memory_space<hbm>> -> memref<1x10240xf32, #tpu.memory_space<hbm>>
      %dma_wait3A_13 = tpu.memref_squeeze %dma_wait3A_12 : memref<1x10240xf32, #tpu.memory_space<hbm>> -> memref<10240xf32, #tpu.memory_space<hbm>>
      %dma_wait3A_14 = arith.constant 0 : i32
      %dma_wait3A_15 = tpu.memref_slice %arg4[%add3A, %dma_wait3A_14] : memref<32x10240xf32, #tpu.memory_space<hbm>> -> memref<1x10240xf32, #tpu.memory_space<hbm>>
      %dma_wait3A_16 = tpu.memref_squeeze %dma_wait3A_15 : memref<1x10240xf32, #tpu.memory_space<hbm>> -> memref<10240xf32, #tpu.memory_space<hbm>>
      tpu.wait_dma2 semaphore(%run_scoped3A : memref<!tpu.dma_semaphore, #tpu.memory_space<semaphore_mem>>) src(%arg6 : memref<10240xf32, #tpu.memory_space<vmem>>) dst(%dma_wait3A_16 : memref<10240xf32, #tpu.memory_space<hbm>>)
      tpu.yield
    }) : () -> ()
    return
  }
}

#map = affine_map<(d0, d1) -> (0, 0, 0)>
module attributes {stable_mosaic.version = 14 : i64} {
  func.func @agg(%arg0: i32, %arg1: i32, %arg2: memref<16x160x128xi32, #tpu.memory_space<hbm>>, %arg3: memref<16x160x128xi32, #tpu.memory_space<hbm>>, %arg4: memref<2x10240x128xf32, #tpu.memory_space<hbm>>, %arg5: memref<2x10240x128xf32, #tpu.memory_space<hbm>>, %arg6: memref<40x128xi32, #tpu.memory_space<vmem>>, %arg7: memref<40x128xi32, #tpu.memory_space<vmem>>, %arg8: memref<128x128xf32, #tpu.memory_space<vmem>>, %arg9: memref<128x128xf32, #tpu.memory_space<vmem>>, %arg10: memref<10240x128xf32, #tpu.memory_space<vmem_shared>>, %arg11: memref<!tpu.dma_semaphore, #tpu.memory_space<semaphore_mem>>, %arg12: memref<!tpu.dma_semaphore, #tpu.memory_space<semaphore_mem>>) attributes {dimension_semantics = [#tpu.dimension_semantics<core_parallel>, #tpu.dimension_semantics<subcore_parallel>], iteration_bounds = array<i64: 2, 16>, scalar_prefetch = 0 : i64, scratch_operands = 7 : i64, tpu.core_type = #tpu.core_type<sc_vector_subcore>, window_params = [{transform_indices = #map}, {transform_indices = #map}, {transform_indices = #map}, {transform_indices = #map}]} {
    %mul3A = arith.constant 640 : i32
    %mul3A_0 = arith.muli %arg1, %mul3A : i32
    "tpu.region"() ({
      %run_scoped3A = tpu.sem_alloc : memref<!tpu.dma_semaphore, #tpu.memory_space<semaphore_mem>>
      %dma_start3A = arith.constant 0 : i32
      %dma_start3A_9 = tpu.memref_slice %arg10[%mul3A_0, %dma_start3A] : memref<10240x128xf32, #tpu.memory_space<vmem_shared>> -> memref<640x128xf32, #tpu.memory_space<vmem_shared>>
      %dma_start3A_10 = arith.constant 0 : i32
      %dma_start3A_11 = arith.constant 0 : i32
      %dma_start3A_12 = tpu.memref_slice %arg4[%arg0, %dma_start3A_10, %dma_start3A_11] : memref<2x10240x128xf32, #tpu.memory_space<hbm>> -> memref<1x10240x128xf32, #tpu.memory_space<hbm>>
      %dma_start3A_13 = tpu.memref_squeeze %dma_start3A_12 : memref<1x10240x128xf32, #tpu.memory_space<hbm>> -> memref<10240x128xf32, #tpu.memory_space<hbm>>
      %dma_start3A_14 = arith.constant 0 : i32
      %dma_start3A_15 = tpu.memref_slice %dma_start3A_13[%mul3A_0, %dma_start3A_14] : memref<10240x128xf32, #tpu.memory_space<hbm>> -> memref<640x128xf32, #tpu.memory_space<hbm>>
      tpu.enqueue_dma source(%dma_start3A_15 : memref<640x128xf32, #tpu.memory_space<hbm>>) target(%dma_start3A_9 : memref<640x128xf32, #tpu.memory_space<vmem_shared>>) target_semaphore(%run_scoped3A : memref<!tpu.dma_semaphore, #tpu.memory_space<semaphore_mem>>)
      %dma_wait3A = arith.constant 0 : i32
      %dma_wait3A_16 = tpu.memref_slice %arg10[%mul3A_0, %dma_wait3A] : memref<10240x128xf32, #tpu.memory_space<vmem_shared>> -> memref<640x128xf32, #tpu.memory_space<vmem_shared>>
      %dma_wait3A_17 = arith.constant 0 : i32
      %dma_wait3A_18 = arith.constant 0 : i32
      %dma_wait3A_19 = tpu.memref_slice %arg4[%arg0, %dma_wait3A_17, %dma_wait3A_18] : memref<2x10240x128xf32, #tpu.memory_space<hbm>> -> memref<1x10240x128xf32, #tpu.memory_space<hbm>>
      %dma_wait3A_20 = tpu.memref_squeeze %dma_wait3A_19 : memref<1x10240x128xf32, #tpu.memory_space<hbm>> -> memref<10240x128xf32, #tpu.memory_space<hbm>>
      %dma_wait3A_21 = arith.constant 0 : i32
      %dma_wait3A_22 = tpu.memref_slice %dma_wait3A_20[%mul3A_0, %dma_wait3A_21] : memref<10240x128xf32, #tpu.memory_space<hbm>> -> memref<640x128xf32, #tpu.memory_space<hbm>>
      tpu.wait_dma2 semaphore(%run_scoped3A : memref<!tpu.dma_semaphore, #tpu.memory_space<semaphore_mem>>) src(%dma_wait3A_22 : memref<640x128xf32, #tpu.memory_space<hbm>>) dst(%dma_wait3A_16 : memref<640x128xf32, #tpu.memory_space<vmem_shared>>)
      tpu.yield
    }) : () -> ()
    %barrier3A = arith.constant 0 : index
    tpu.barrier barrier_id(%barrier3A)
    %mul3A_1 = arith.constant 0 : i32
    %mul3A_2 = arith.muli %arg0, %mul3A_1 : i32
    %scan3A = arith.constant 0 : i32
    %scan3A_3 = arith.constant 0 : i32
    %scan3A_4 = arith.constant 4 : i32
    %scan3A_5 = arith.addi %scan3A_3, %scan3A_4 : i32
    %scan3A_6 = arith.constant 1 : i32
    scf.for %scan3A_9 = %scan3A_3 to %scan3A_5 step %scan3A_6  : i32 {
      %mul3A_10 = arith.constant 40 : i32
      %mul3A_11 = arith.muli %scan3A_9, %mul3A_10 : i32
      "tpu.region"() ({
        %run_scoped3A = tpu.sem_alloc : memref<!tpu.dma_semaphore, #tpu.memory_space<semaphore_mem>>
        %dma_start3A_69 = arith.constant 0 : i32
        %dma_start3A_70 = arith.constant 0 : i32
        %dma_start3A_71 = tpu.memref_slice %arg2[%arg1, %dma_start3A_69, %dma_start3A_70] : memref<16x160x128xi32, #tpu.memory_space<hbm>> -> memref<1x160x128xi32, #tpu.memory_space<hbm>>
        %dma_start3A_72 = tpu.memref_squeeze %dma_start3A_71 : memref<1x160x128xi32, #tpu.memory_space<hbm>> -> memref<160x128xi32, #tpu.memory_space<hbm>>
        %dma_start3A_73 = arith.constant 0 : i32
        %dma_start3A_74 = tpu.memref_slice %dma_start3A_72[%mul3A_11, %dma_start3A_73] : memref<160x128xi32, #tpu.memory_space<hbm>> -> memref<40x128xi32, #tpu.memory_space<hbm>>
        %dma_start3A_75 = arith.constant 0 : i32
        %dma_start3A_76 = arith.constant 0 : i32
        %dma_start3A_77 = tpu.memref_slice %arg2[%arg1, %dma_start3A_75, %dma_start3A_76] : memref<16x160x128xi32, #tpu.memory_space<hbm>> -> memref<1x160x128xi32, #tpu.memory_space<hbm>>
        %dma_start3A_78 = tpu.memref_squeeze %dma_start3A_77 : memref<1x160x128xi32, #tpu.memory_space<hbm>> -> memref<160x128xi32, #tpu.memory_space<hbm>>
        %dma_start3A_79 = arith.constant 0 : i32
        %dma_start3A_80 = tpu.memref_slice %dma_start3A_78[%mul3A_11, %dma_start3A_79] : memref<160x128xi32, #tpu.memory_space<hbm>> -> memref<40x128xi32, #tpu.memory_space<hbm>>
        tpu.enqueue_dma source(%dma_start3A_80 : memref<40x128xi32, #tpu.memory_space<hbm>>) target(%arg6 : memref<40x128xi32, #tpu.memory_space<vmem>>) target_semaphore(%run_scoped3A : memref<!tpu.dma_semaphore, #tpu.memory_space<semaphore_mem>>)
        %dma_wait3A_81 = arith.constant 0 : i32
        %dma_wait3A_82 = arith.constant 0 : i32
        %dma_wait3A_83 = tpu.memref_slice %arg2[%arg1, %dma_wait3A_81, %dma_wait3A_82] : memref<16x160x128xi32, #tpu.memory_space<hbm>> -> memref<1x160x128xi32, #tpu.memory_space<hbm>>
        %dma_wait3A_84 = tpu.memref_squeeze %dma_wait3A_83 : memref<1x160x128xi32, #tpu.memory_space<hbm>> -> memref<160x128xi32, #tpu.memory_space<hbm>>
        %dma_wait3A_85 = arith.constant 0 : i32
        %dma_wait3A_86 = tpu.memref_slice %dma_wait3A_84[%mul3A_11, %dma_wait3A_85] : memref<160x128xi32, #tpu.memory_space<hbm>> -> memref<40x128xi32, #tpu.memory_space<hbm>>
        %dma_wait3A_87 = arith.constant 0 : i32
        %dma_wait3A_88 = arith.constant 0 : i32
        %dma_wait3A_89 = tpu.memref_slice %arg2[%arg1, %dma_wait3A_87, %dma_wait3A_88] : memref<16x160x128xi32, #tpu.memory_space<hbm>> -> memref<1x160x128xi32, #tpu.memory_space<hbm>>
        %dma_wait3A_90 = tpu.memref_squeeze %dma_wait3A_89 : memref<1x160x128xi32, #tpu.memory_space<hbm>> -> memref<160x128xi32, #tpu.memory_space<hbm>>
        %dma_wait3A_91 = arith.constant 0 : i32
        %dma_wait3A_92 = tpu.memref_slice %dma_wait3A_90[%mul3A_11, %dma_wait3A_91] : memref<160x128xi32, #tpu.memory_space<hbm>> -> memref<40x128xi32, #tpu.memory_space<hbm>>
        tpu.wait_dma2 semaphore(%run_scoped3A : memref<!tpu.dma_semaphore, #tpu.memory_space<semaphore_mem>>) src(%dma_wait3A_92 : memref<40x128xi32, #tpu.memory_space<hbm>>) dst(%arg6 : memref<40x128xi32, #tpu.memory_space<vmem>>)
        tpu.yield
      }) : () -> ()
      %mul3A_12 = arith.constant 40 : i32
      %mul3A_13 = arith.muli %scan3A_9, %mul3A_12 : i32
      "tpu.region"() ({
        %run_scoped3A = tpu.sem_alloc : memref<!tpu.dma_semaphore, #tpu.memory_space<semaphore_mem>>
        %dma_start3A_69 = arith.constant 0 : i32
        %dma_start3A_70 = arith.constant 0 : i32
        %dma_start3A_71 = tpu.memref_slice %arg3[%arg1, %dma_start3A_69, %dma_start3A_70] : memref<16x160x128xi32, #tpu.memory_space<hbm>> -> memref<1x160x128xi32, #tpu.memory_space<hbm>>
        %dma_start3A_72 = tpu.memref_squeeze %dma_start3A_71 : memref<1x160x128xi32, #tpu.memory_space<hbm>> -> memref<160x128xi32, #tpu.memory_space<hbm>>
        %dma_start3A_73 = arith.constant 0 : i32
        %dma_start3A_74 = tpu.memref_slice %dma_start3A_72[%mul3A_13, %dma_start3A_73] : memref<160x128xi32, #tpu.memory_space<hbm>> -> memref<40x128xi32, #tpu.memory_space<hbm>>
        %dma_start3A_75 = arith.constant 0 : i32
        %dma_start3A_76 = arith.constant 0 : i32
        %dma_start3A_77 = tpu.memref_slice %arg3[%arg1, %dma_start3A_75, %dma_start3A_76] : memref<16x160x128xi32, #tpu.memory_space<hbm>> -> memref<1x160x128xi32, #tpu.memory_space<hbm>>
        %dma_start3A_78 = tpu.memref_squeeze %dma_start3A_77 : memref<1x160x128xi32, #tpu.memory_space<hbm>> -> memref<160x128xi32, #tpu.memory_space<hbm>>
        %dma_start3A_79 = arith.constant 0 : i32
        %dma_start3A_80 = tpu.memref_slice %dma_start3A_78[%mul3A_13, %dma_start3A_79] : memref<160x128xi32, #tpu.memory_space<hbm>> -> memref<40x128xi32, #tpu.memory_space<hbm>>
        tpu.enqueue_dma source(%dma_start3A_80 : memref<40x128xi32, #tpu.memory_space<hbm>>) target(%arg7 : memref<40x128xi32, #tpu.memory_space<vmem>>) target_semaphore(%run_scoped3A : memref<!tpu.dma_semaphore, #tpu.memory_space<semaphore_mem>>)
        %dma_wait3A_81 = arith.constant 0 : i32
        %dma_wait3A_82 = arith.constant 0 : i32
        %dma_wait3A_83 = tpu.memref_slice %arg3[%arg1, %dma_wait3A_81, %dma_wait3A_82] : memref<16x160x128xi32, #tpu.memory_space<hbm>> -> memref<1x160x128xi32, #tpu.memory_space<hbm>>
        %dma_wait3A_84 = tpu.memref_squeeze %dma_wait3A_83 : memref<1x160x128xi32, #tpu.memory_space<hbm>> -> memref<160x128xi32, #tpu.memory_space<hbm>>
        %dma_wait3A_85 = arith.constant 0 : i32
        %dma_wait3A_86 = tpu.memref_slice %dma_wait3A_84[%mul3A_13, %dma_wait3A_85] : memref<160x128xi32, #tpu.memory_space<hbm>> -> memref<40x128xi32, #tpu.memory_space<hbm>>
        %dma_wait3A_87 = arith.constant 0 : i32
        %dma_wait3A_88 = arith.constant 0 : i32
        %dma_wait3A_89 = tpu.memref_slice %arg3[%arg1, %dma_wait3A_87, %dma_wait3A_88] : memref<16x160x128xi32, #tpu.memory_space<hbm>> -> memref<1x160x128xi32, #tpu.memory_space<hbm>>
        %dma_wait3A_90 = tpu.memref_squeeze %dma_wait3A_89 : memref<1x160x128xi32, #tpu.memory_space<hbm>> -> memref<160x128xi32, #tpu.memory_space<hbm>>
        %dma_wait3A_91 = arith.constant 0 : i32
        %dma_wait3A_92 = tpu.memref_slice %dma_wait3A_90[%mul3A_13, %dma_wait3A_91] : memref<160x128xi32, #tpu.memory_space<hbm>> -> memref<40x128xi32, #tpu.memory_space<hbm>>
        tpu.wait_dma2 semaphore(%run_scoped3A : memref<!tpu.dma_semaphore, #tpu.memory_space<semaphore_mem>>) src(%dma_wait3A_92 : memref<40x128xi32, #tpu.memory_space<hbm>>) dst(%arg7 : memref<40x128xi32, #tpu.memory_space<vmem>>)
        tpu.yield
      }) : () -> ()
      %add3A = arith.constant 0 : i32
      %add3A_14 = arith.addi %mul3A_2, %add3A : i32
      %dma_start3A = arith.constant 0 : i32
      %dma_start3A_15 = tpu.memref_slice %arg6[%add3A_14, %dma_start3A] : memref<40x128xi32, #tpu.memory_space<vmem>> -> memref<1x128xi32, #tpu.memory_space<vmem>>
      %dma_start3A_16 = tpu.memref_squeeze %dma_start3A_15 : memref<1x128xi32, #tpu.memory_space<vmem>> -> memref<128xi32, #tpu.memory_space<vmem>>
      %dma_start3A_17 = arith.constant 0 : i32
      %dma_start3A_18 = arith.constant 0 : i32
      %dma_start3A_19 = tpu.memref_slice %arg4[%arg0, %dma_start3A_17, %dma_start3A_18] : memref<2x10240x128xf32, #tpu.memory_space<hbm>> -> memref<1x10240x128xf32, #tpu.memory_space<hbm>>
      %dma_start3A_20 = tpu.memref_squeeze %dma_start3A_19 : memref<1x10240x128xf32, #tpu.memory_space<hbm>> -> memref<10240x128xf32, #tpu.memory_space<hbm>>
      %dma_start3A_21 = arith.constant 0 : i32
      %dma_start3A_22 = arith.constant 0 : i32
      %dma_start3A_23 = tpu.memref_slice %dma_start3A_20[%dma_start3A_21, %dma_start3A_22] : memref<10240x128xf32, #tpu.memory_space<hbm>> -> memref<10240x128xf32, #tpu.memory_space<hbm>>
      tpu.enqueue_indirect_dma source(%dma_start3A_23 : memref<10240x128xf32, #tpu.memory_space<hbm>>) target(%arg8 : memref<128x128xf32, #tpu.memory_space<vmem>>) offsets(%dma_start3A_16 : memref<128xi32, #tpu.memory_space<vmem>>) semaphore(%arg11 : memref<!tpu.dma_semaphore, #tpu.memory_space<semaphore_mem>>)
      %add3A_24 = arith.constant 1 : i32
      %add3A_25 = arith.addi %mul3A_2, %add3A_24 : i32
      %dma_start3A_26 = arith.constant 0 : i32
      %dma_start3A_27 = tpu.memref_slice %arg6[%add3A_25, %dma_start3A_26] : memref<40x128xi32, #tpu.memory_space<vmem>> -> memref<1x128xi32, #tpu.memory_space<vmem>>
      %dma_start3A_28 = tpu.memref_squeeze %dma_start3A_27 : memref<1x128xi32, #tpu.memory_space<vmem>> -> memref<128xi32, #tpu.memory_space<vmem>>
      %dma_start3A_29 = arith.constant 0 : i32
      %dma_start3A_30 = arith.constant 0 : i32
      %dma_start3A_31 = tpu.memref_slice %arg4[%arg0, %dma_start3A_29, %dma_start3A_30] : memref<2x10240x128xf32, #tpu.memory_space<hbm>> -> memref<1x10240x128xf32, #tpu.memory_space<hbm>>
      %dma_start3A_32 = tpu.memref_squeeze %dma_start3A_31 : memref<1x10240x128xf32, #tpu.memory_space<hbm>> -> memref<10240x128xf32, #tpu.memory_space<hbm>>
      %dma_start3A_33 = arith.constant 0 : i32
      %dma_start3A_34 = arith.constant 0 : i32
      %dma_start3A_35 = tpu.memref_slice %dma_start3A_32[%dma_start3A_33, %dma_start3A_34] : memref<10240x128xf32, #tpu.memory_space<hbm>> -> memref<10240x128xf32, #tpu.memory_space<hbm>>
      tpu.enqueue_indirect_dma source(%dma_start3A_35 : memref<10240x128xf32, #tpu.memory_space<hbm>>) target(%arg9 : memref<128x128xf32, #tpu.memory_space<vmem>>) offsets(%dma_start3A_28 : memref<128xi32, #tpu.memory_space<vmem>>) semaphore(%arg12 : memref<!tpu.dma_semaphore, #tpu.memory_space<semaphore_mem>>)
      %scan3A_36 = arith.constant 0 : i32
      %scan3A_37 = arith.constant 0 : i32
      %scan3A_38 = arith.constant 19 : i32
      %scan3A_39 = arith.addi %scan3A_37, %scan3A_38 : i32
      %scan3A_40 = arith.constant 1 : i32
      scf.for %scan3A_69 = %scan3A_37 to %scan3A_39 step %scan3A_40  : i32 {
        %mul3A_70 = arith.constant 2 : i32
        %mul3A_71 = arith.muli %mul3A_70, %scan3A_69 : i32
        %mul3A_72 = arith.constant 1 : i32
        %mul3A_73 = arith.muli %mul3A_72, %mul3A_71 : i32
        %add3A_74 = arith.addi %mul3A_2, %mul3A_73 : i32
        %dma_wait3A_75 = arith.constant 0 : i32
        %dma_wait3A_76 = tpu.memref_slice %arg6[%add3A_74, %dma_wait3A_75] : memref<40x128xi32, #tpu.memory_space<vmem>> -> memref<1x128xi32, #tpu.memory_space<vmem>>
        %dma_wait3A_77 = tpu.memref_squeeze %dma_wait3A_76 : memref<1x128xi32, #tpu.memory_space<vmem>> -> memref<128xi32, #tpu.memory_space<vmem>>
        %dma_wait3A_78 = arith.constant 0 : i32
        %dma_wait3A_79 = arith.constant 0 : i32
        %dma_wait3A_80 = tpu.memref_slice %arg4[%arg0, %dma_wait3A_78, %dma_wait3A_79] : memref<2x10240x128xf32, #tpu.memory_space<hbm>> -> memref<1x10240x128xf32, #tpu.memory_space<hbm>>
        %dma_wait3A_81 = tpu.memref_squeeze %dma_wait3A_80 : memref<1x10240x128xf32, #tpu.memory_space<hbm>> -> memref<10240x128xf32, #tpu.memory_space<hbm>>
        %dma_wait3A_82 = arith.constant 0 : i32
        %dma_wait3A_83 = arith.constant 0 : i32
        %dma_wait3A_84 = tpu.memref_slice %dma_wait3A_81[%dma_wait3A_82, %dma_wait3A_83] : memref<10240x128xf32, #tpu.memory_space<hbm>> -> memref<10240x128xf32, #tpu.memory_space<hbm>>
        tpu.wait_indirect_dma semaphore(%arg11 : memref<!tpu.dma_semaphore, #tpu.memory_space<semaphore_mem>>) src(%dma_wait3A_84 : memref<10240x128xf32, #tpu.memory_space<hbm>>) dst(%arg8 : memref<128x128xf32, #tpu.memory_space<vmem>>)
        %mul3A_85 = arith.constant 1 : i32
        %mul3A_86 = arith.muli %mul3A_85, %mul3A_71 : i32
        %add3A_87 = arith.addi %mul3A_2, %mul3A_86 : i32
        "tpu.region"() ({
          %run_scoped3A = tpu.sem_alloc : memref<!tpu.dma_semaphore, #tpu.memory_space<semaphore_mem>>
          %dma_start3A_138 = arith.constant 0 : i32
          %dma_start3A_139 = tpu.memref_slice %arg7[%add3A_87, %dma_start3A_138] : memref<40x128xi32, #tpu.memory_space<vmem>> -> memref<1x128xi32, #tpu.memory_space<vmem>>
          %dma_start3A_140 = tpu.memref_squeeze %dma_start3A_139 : memref<1x128xi32, #tpu.memory_space<vmem>> -> memref<128xi32, #tpu.memory_space<vmem>>
          %dma_start3A_141 = arith.constant 0 : i32
          %dma_start3A_142 = arith.constant 0 : i32
          %dma_start3A_143 = tpu.memref_slice %arg10[%dma_start3A_141, %dma_start3A_142] : memref<10240x128xf32, #tpu.memory_space<vmem_shared>> -> memref<10240x128xf32, #tpu.memory_space<vmem_shared>>
          tpu.enqueue_indirect_dma source(%arg8 : memref<128x128xf32, #tpu.memory_space<vmem>>) target(%dma_start3A_143 : memref<10240x128xf32, #tpu.memory_space<vmem_shared>>) offsets(%dma_start3A_140 : memref<128xi32, #tpu.memory_space<vmem>>) semaphore(%run_scoped3A : memref<!tpu.dma_semaphore, #tpu.memory_space<semaphore_mem>>) {add = true}
          %dma_wait3A_144 = arith.constant 0 : i32
          %dma_wait3A_145 = tpu.memref_slice %arg7[%add3A_87, %dma_wait3A_144] : memref<40x128xi32, #tpu.memory_space<vmem>> -> memref<1x128xi32, #tpu.memory_space<vmem>>
          %dma_wait3A_146 = tpu.memref_squeeze %dma_wait3A_145 : memref<1x128xi32, #tpu.memory_space<vmem>> -> memref<128xi32, #tpu.memory_space<vmem>>
          %dma_wait3A_147 = arith.constant 0 : i32
          %dma_wait3A_148 = arith.constant 0 : i32
          %dma_wait3A_149 = tpu.memref_slice %arg10[%dma_wait3A_147, %dma_wait3A_148] : memref<10240x128xf32, #tpu.memory_space<vmem_shared>> -> memref<10240x128xf32, #tpu.memory_space<vmem_shared>>
          tpu.wait_indirect_dma semaphore(%run_scoped3A : memref<!tpu.dma_semaphore, #tpu.memory_space<semaphore_mem>>) src(%arg8 : memref<128x128xf32, #tpu.memory_space<vmem>>) dst(%dma_wait3A_149 : memref<10240x128xf32, #tpu.memory_space<vmem_shared>>)
          tpu.yield
        }) : () -> ()
        %add3A_88 = arith.constant 2 : i32
        %add3A_89 = arith.addi %mul3A_71, %add3A_88 : i32
        %mul3A_90 = arith.constant 1 : i32
        %mul3A_91 = arith.muli %mul3A_90, %add3A_89 : i32
        %add3A_92 = arith.addi %mul3A_2, %mul3A_91 : i32
        %dma_start3A_93 = arith.constant 0 : i32
        %dma_start3A_94 = tpu.memref_slice %arg6[%add3A_92, %dma_start3A_93] : memref<40x128xi32, #tpu.memory_space<vmem>> -> memref<1x128xi32, #tpu.memory_space<vmem>>
        %dma_start3A_95 = tpu.memref_squeeze %dma_start3A_94 : memref<1x128xi32, #tpu.memory_space<vmem>> -> memref<128xi32, #tpu.memory_space<vmem>>
        %dma_start3A_96 = arith.constant 0 : i32
        %dma_start3A_97 = arith.constant 0 : i32
        %dma_start3A_98 = tpu.memref_slice %arg4[%arg0, %dma_start3A_96, %dma_start3A_97] : memref<2x10240x128xf32, #tpu.memory_space<hbm>> -> memref<1x10240x128xf32, #tpu.memory_space<hbm>>
        %dma_start3A_99 = tpu.memref_squeeze %dma_start3A_98 : memref<1x10240x128xf32, #tpu.memory_space<hbm>> -> memref<10240x128xf32, #tpu.memory_space<hbm>>
        %dma_start3A_100 = arith.constant 0 : i32
        %dma_start3A_101 = arith.constant 0 : i32
        %dma_start3A_102 = tpu.memref_slice %dma_start3A_99[%dma_start3A_100, %dma_start3A_101] : memref<10240x128xf32, #tpu.memory_space<hbm>> -> memref<10240x128xf32, #tpu.memory_space<hbm>>
        tpu.enqueue_indirect_dma source(%dma_start3A_102 : memref<10240x128xf32, #tpu.memory_space<hbm>>) target(%arg8 : memref<128x128xf32, #tpu.memory_space<vmem>>) offsets(%dma_start3A_95 : memref<128xi32, #tpu.memory_space<vmem>>) semaphore(%arg11 : memref<!tpu.dma_semaphore, #tpu.memory_space<semaphore_mem>>)
        %add3A_103 = arith.constant 1 : i32
        %add3A_104 = arith.addi %mul3A_71, %add3A_103 : i32
        %mul3A_105 = arith.constant 1 : i32
        %mul3A_106 = arith.muli %mul3A_105, %add3A_104 : i32
        %add3A_107 = arith.addi %mul3A_2, %mul3A_106 : i32
        %dma_wait3A_108 = arith.constant 0 : i32
        %dma_wait3A_109 = tpu.memref_slice %arg6[%add3A_107, %dma_wait3A_108] : memref<40x128xi32, #tpu.memory_space<vmem>> -> memref<1x128xi32, #tpu.memory_space<vmem>>
        %dma_wait3A_110 = tpu.memref_squeeze %dma_wait3A_109 : memref<1x128xi32, #tpu.memory_space<vmem>> -> memref<128xi32, #tpu.memory_space<vmem>>
        %dma_wait3A_111 = arith.constant 0 : i32
        %dma_wait3A_112 = arith.constant 0 : i32
        %dma_wait3A_113 = tpu.memref_slice %arg4[%arg0, %dma_wait3A_111, %dma_wait3A_112] : memref<2x10240x128xf32, #tpu.memory_space<hbm>> -> memref<1x10240x128xf32, #tpu.memory_space<hbm>>
        %dma_wait3A_114 = tpu.memref_squeeze %dma_wait3A_113 : memref<1x10240x128xf32, #tpu.memory_space<hbm>> -> memref<10240x128xf32, #tpu.memory_space<hbm>>
        %dma_wait3A_115 = arith.constant 0 : i32
        %dma_wait3A_116 = arith.constant 0 : i32
        %dma_wait3A_117 = tpu.memref_slice %dma_wait3A_114[%dma_wait3A_115, %dma_wait3A_116] : memref<10240x128xf32, #tpu.memory_space<hbm>> -> memref<10240x128xf32, #tpu.memory_space<hbm>>
        tpu.wait_indirect_dma semaphore(%arg12 : memref<!tpu.dma_semaphore, #tpu.memory_space<semaphore_mem>>) src(%dma_wait3A_117 : memref<10240x128xf32, #tpu.memory_space<hbm>>) dst(%arg9 : memref<128x128xf32, #tpu.memory_space<vmem>>)
        %add3A_118 = arith.constant 1 : i32
        %add3A_119 = arith.addi %mul3A_71, %add3A_118 : i32
        %mul3A_120 = arith.constant 1 : i32
        %mul3A_121 = arith.muli %mul3A_120, %add3A_119 : i32
        %add3A_122 = arith.addi %mul3A_2, %mul3A_121 : i32
        "tpu.region"() ({
          %run_scoped3A = tpu.sem_alloc : memref<!tpu.dma_semaphore, #tpu.memory_space<semaphore_mem>>
          %dma_start3A_138 = arith.constant 0 : i32
          %dma_start3A_139 = tpu.memref_slice %arg7[%add3A_122, %dma_start3A_138] : memref<40x128xi32, #tpu.memory_space<vmem>> -> memref<1x128xi32, #tpu.memory_space<vmem>>
          %dma_start3A_140 = tpu.memref_squeeze %dma_start3A_139 : memref<1x128xi32, #tpu.memory_space<vmem>> -> memref<128xi32, #tpu.memory_space<vmem>>
          %dma_start3A_141 = arith.constant 0 : i32
          %dma_start3A_142 = arith.constant 0 : i32
          %dma_start3A_143 = tpu.memref_slice %arg10[%dma_start3A_141, %dma_start3A_142] : memref<10240x128xf32, #tpu.memory_space<vmem_shared>> -> memref<10240x128xf32, #tpu.memory_space<vmem_shared>>
          tpu.enqueue_indirect_dma source(%arg9 : memref<128x128xf32, #tpu.memory_space<vmem>>) target(%dma_start3A_143 : memref<10240x128xf32, #tpu.memory_space<vmem_shared>>) offsets(%dma_start3A_140 : memref<128xi32, #tpu.memory_space<vmem>>) semaphore(%run_scoped3A : memref<!tpu.dma_semaphore, #tpu.memory_space<semaphore_mem>>) {add = true}
          %dma_wait3A_144 = arith.constant 0 : i32
          %dma_wait3A_145 = tpu.memref_slice %arg7[%add3A_122, %dma_wait3A_144] : memref<40x128xi32, #tpu.memory_space<vmem>> -> memref<1x128xi32, #tpu.memory_space<vmem>>
          %dma_wait3A_146 = tpu.memref_squeeze %dma_wait3A_145 : memref<1x128xi32, #tpu.memory_space<vmem>> -> memref<128xi32, #tpu.memory_space<vmem>>
          %dma_wait3A_147 = arith.constant 0 : i32
          %dma_wait3A_148 = arith.constant 0 : i32
          %dma_wait3A_149 = tpu.memref_slice %arg10[%dma_wait3A_147, %dma_wait3A_148] : memref<10240x128xf32, #tpu.memory_space<vmem_shared>> -> memref<10240x128xf32, #tpu.memory_space<vmem_shared>>
          tpu.wait_indirect_dma semaphore(%run_scoped3A : memref<!tpu.dma_semaphore, #tpu.memory_space<semaphore_mem>>) src(%arg9 : memref<128x128xf32, #tpu.memory_space<vmem>>) dst(%dma_wait3A_149 : memref<10240x128xf32, #tpu.memory_space<vmem_shared>>)
          tpu.yield
        }) : () -> ()
        %add3A_123 = arith.constant 3 : i32
        %add3A_124 = arith.addi %mul3A_71, %add3A_123 : i32
        %mul3A_125 = arith.constant 1 : i32
        %mul3A_126 = arith.muli %mul3A_125, %add3A_124 : i32
        %add3A_127 = arith.addi %mul3A_2, %mul3A_126 : i32
        %dma_start3A_128 = arith.constant 0 : i32
        %dma_start3A_129 = tpu.memref_slice %arg6[%add3A_127, %dma_start3A_128] : memref<40x128xi32, #tpu.memory_space<vmem>> -> memref<1x128xi32, #tpu.memory_space<vmem>>
        %dma_start3A_130 = tpu.memref_squeeze %dma_start3A_129 : memref<1x128xi32, #tpu.memory_space<vmem>> -> memref<128xi32, #tpu.memory_space<vmem>>
        %dma_start3A_131 = arith.constant 0 : i32
        %dma_start3A_132 = arith.constant 0 : i32
        %dma_start3A_133 = tpu.memref_slice %arg4[%arg0, %dma_start3A_131, %dma_start3A_132] : memref<2x10240x128xf32, #tpu.memory_space<hbm>> -> memref<1x10240x128xf32, #tpu.memory_space<hbm>>
        %dma_start3A_134 = tpu.memref_squeeze %dma_start3A_133 : memref<1x10240x128xf32, #tpu.memory_space<hbm>> -> memref<10240x128xf32, #tpu.memory_space<hbm>>
        %dma_start3A_135 = arith.constant 0 : i32
        %dma_start3A_136 = arith.constant 0 : i32
        %dma_start3A_137 = tpu.memref_slice %dma_start3A_134[%dma_start3A_135, %dma_start3A_136] : memref<10240x128xf32, #tpu.memory_space<hbm>> -> memref<10240x128xf32, #tpu.memory_space<hbm>>
        tpu.enqueue_indirect_dma source(%dma_start3A_137 : memref<10240x128xf32, #tpu.memory_space<hbm>>) target(%arg9 : memref<128x128xf32, #tpu.memory_space<vmem>>) offsets(%dma_start3A_130 : memref<128xi32, #tpu.memory_space<vmem>>) semaphore(%arg12 : memref<!tpu.dma_semaphore, #tpu.memory_space<semaphore_mem>>)
      }
      %scan3A_41 = arith.constant 19 : i32
      %add3A_42 = arith.constant 38 : i32
      %add3A_43 = arith.addi %mul3A_2, %add3A_42 : i32
      %dma_wait3A = arith.constant 0 : i32
      %dma_wait3A_44 = tpu.memref_slice %arg6[%add3A_43, %dma_wait3A] : memref<40x128xi32, #tpu.memory_space<vmem>> -> memref<1x128xi32, #tpu.memory_space<vmem>>
      %dma_wait3A_45 = tpu.memref_squeeze %dma_wait3A_44 : memref<1x128xi32, #tpu.memory_space<vmem>> -> memref<128xi32, #tpu.memory_space<vmem>>
      %dma_wait3A_46 = arith.constant 0 : i32
      %dma_wait3A_47 = arith.constant 0 : i32
      %dma_wait3A_48 = tpu.memref_slice %arg4[%arg0, %dma_wait3A_46, %dma_wait3A_47] : memref<2x10240x128xf32, #tpu.memory_space<hbm>> -> memref<1x10240x128xf32, #tpu.memory_space<hbm>>
      %dma_wait3A_49 = tpu.memref_squeeze %dma_wait3A_48 : memref<1x10240x128xf32, #tpu.memory_space<hbm>> -> memref<10240x128xf32, #tpu.memory_space<hbm>>
      %dma_wait3A_50 = arith.constant 0 : i32
      %dma_wait3A_51 = arith.constant 0 : i32
      %dma_wait3A_52 = tpu.memref_slice %dma_wait3A_49[%dma_wait3A_50, %dma_wait3A_51] : memref<10240x128xf32, #tpu.memory_space<hbm>> -> memref<10240x128xf32, #tpu.memory_space<hbm>>
      tpu.wait_indirect_dma semaphore(%arg11 : memref<!tpu.dma_semaphore, #tpu.memory_space<semaphore_mem>>) src(%dma_wait3A_52 : memref<10240x128xf32, #tpu.memory_space<hbm>>) dst(%arg8 : memref<128x128xf32, #tpu.memory_space<vmem>>)
      %add3A_53 = arith.constant 38 : i32
      %add3A_54 = arith.addi %mul3A_2, %add3A_53 : i32
      "tpu.region"() ({
        %run_scoped3A = tpu.sem_alloc : memref<!tpu.dma_semaphore, #tpu.memory_space<semaphore_mem>>
        %dma_start3A_69 = arith.constant 0 : i32
        %dma_start3A_70 = tpu.memref_slice %arg7[%add3A_54, %dma_start3A_69] : memref<40x128xi32, #tpu.memory_space<vmem>> -> memref<1x128xi32, #tpu.memory_space<vmem>>
        %dma_start3A_71 = tpu.memref_squeeze %dma_start3A_70 : memref<1x128xi32, #tpu.memory_space<vmem>> -> memref<128xi32, #tpu.memory_space<vmem>>
        %dma_start3A_72 = arith.constant 0 : i32
        %dma_start3A_73 = arith.constant 0 : i32
        %dma_start3A_74 = tpu.memref_slice %arg10[%dma_start3A_72, %dma_start3A_73] : memref<10240x128xf32, #tpu.memory_space<vmem_shared>> -> memref<10240x128xf32, #tpu.memory_space<vmem_shared>>
        tpu.enqueue_indirect_dma source(%arg8 : memref<128x128xf32, #tpu.memory_space<vmem>>) target(%dma_start3A_74 : memref<10240x128xf32, #tpu.memory_space<vmem_shared>>) offsets(%dma_start3A_71 : memref<128xi32, #tpu.memory_space<vmem>>) semaphore(%run_scoped3A : memref<!tpu.dma_semaphore, #tpu.memory_space<semaphore_mem>>) {add = true}
        %dma_wait3A_75 = arith.constant 0 : i32
        %dma_wait3A_76 = tpu.memref_slice %arg7[%add3A_54, %dma_wait3A_75] : memref<40x128xi32, #tpu.memory_space<vmem>> -> memref<1x128xi32, #tpu.memory_space<vmem>>
        %dma_wait3A_77 = tpu.memref_squeeze %dma_wait3A_76 : memref<1x128xi32, #tpu.memory_space<vmem>> -> memref<128xi32, #tpu.memory_space<vmem>>
        %dma_wait3A_78 = arith.constant 0 : i32
        %dma_wait3A_79 = arith.constant 0 : i32
        %dma_wait3A_80 = tpu.memref_slice %arg10[%dma_wait3A_78, %dma_wait3A_79] : memref<10240x128xf32, #tpu.memory_space<vmem_shared>> -> memref<10240x128xf32, #tpu.memory_space<vmem_shared>>
        tpu.wait_indirect_dma semaphore(%run_scoped3A : memref<!tpu.dma_semaphore, #tpu.memory_space<semaphore_mem>>) src(%arg8 : memref<128x128xf32, #tpu.memory_space<vmem>>) dst(%dma_wait3A_80 : memref<10240x128xf32, #tpu.memory_space<vmem_shared>>)
        tpu.yield
      }) : () -> ()
      %add3A_55 = arith.constant 39 : i32
      %add3A_56 = arith.addi %mul3A_2, %add3A_55 : i32
      %dma_wait3A_57 = arith.constant 0 : i32
      %dma_wait3A_58 = tpu.memref_slice %arg6[%add3A_56, %dma_wait3A_57] : memref<40x128xi32, #tpu.memory_space<vmem>> -> memref<1x128xi32, #tpu.memory_space<vmem>>
      %dma_wait3A_59 = tpu.memref_squeeze %dma_wait3A_58 : memref<1x128xi32, #tpu.memory_space<vmem>> -> memref<128xi32, #tpu.memory_space<vmem>>
      %dma_wait3A_60 = arith.constant 0 : i32
      %dma_wait3A_61 = arith.constant 0 : i32
      %dma_wait3A_62 = tpu.memref_slice %arg4[%arg0, %dma_wait3A_60, %dma_wait3A_61] : memref<2x10240x128xf32, #tpu.memory_space<hbm>> -> memref<1x10240x128xf32, #tpu.memory_space<hbm>>
      %dma_wait3A_63 = tpu.memref_squeeze %dma_wait3A_62 : memref<1x10240x128xf32, #tpu.memory_space<hbm>> -> memref<10240x128xf32, #tpu.memory_space<hbm>>
      %dma_wait3A_64 = arith.constant 0 : i32
      %dma_wait3A_65 = arith.constant 0 : i32
      %dma_wait3A_66 = tpu.memref_slice %dma_wait3A_63[%dma_wait3A_64, %dma_wait3A_65] : memref<10240x128xf32, #tpu.memory_space<hbm>> -> memref<10240x128xf32, #tpu.memory_space<hbm>>
      tpu.wait_indirect_dma semaphore(%arg12 : memref<!tpu.dma_semaphore, #tpu.memory_space<semaphore_mem>>) src(%dma_wait3A_66 : memref<10240x128xf32, #tpu.memory_space<hbm>>) dst(%arg9 : memref<128x128xf32, #tpu.memory_space<vmem>>)
      %add3A_67 = arith.constant 39 : i32
      %add3A_68 = arith.addi %mul3A_2, %add3A_67 : i32
      "tpu.region"() ({
        %run_scoped3A = tpu.sem_alloc : memref<!tpu.dma_semaphore, #tpu.memory_space<semaphore_mem>>
        %dma_start3A_69 = arith.constant 0 : i32
        %dma_start3A_70 = tpu.memref_slice %arg7[%add3A_68, %dma_start3A_69] : memref<40x128xi32, #tpu.memory_space<vmem>> -> memref<1x128xi32, #tpu.memory_space<vmem>>
        %dma_start3A_71 = tpu.memref_squeeze %dma_start3A_70 : memref<1x128xi32, #tpu.memory_space<vmem>> -> memref<128xi32, #tpu.memory_space<vmem>>
        %dma_start3A_72 = arith.constant 0 : i32
        %dma_start3A_73 = arith.constant 0 : i32
        %dma_start3A_74 = tpu.memref_slice %arg10[%dma_start3A_72, %dma_start3A_73] : memref<10240x128xf32, #tpu.memory_space<vmem_shared>> -> memref<10240x128xf32, #tpu.memory_space<vmem_shared>>
        tpu.enqueue_indirect_dma source(%arg9 : memref<128x128xf32, #tpu.memory_space<vmem>>) target(%dma_start3A_74 : memref<10240x128xf32, #tpu.memory_space<vmem_shared>>) offsets(%dma_start3A_71 : memref<128xi32, #tpu.memory_space<vmem>>) semaphore(%run_scoped3A : memref<!tpu.dma_semaphore, #tpu.memory_space<semaphore_mem>>) {add = true}
        %dma_wait3A_75 = arith.constant 0 : i32
        %dma_wait3A_76 = tpu.memref_slice %arg7[%add3A_68, %dma_wait3A_75] : memref<40x128xi32, #tpu.memory_space<vmem>> -> memref<1x128xi32, #tpu.memory_space<vmem>>
        %dma_wait3A_77 = tpu.memref_squeeze %dma_wait3A_76 : memref<1x128xi32, #tpu.memory_space<vmem>> -> memref<128xi32, #tpu.memory_space<vmem>>
        %dma_wait3A_78 = arith.constant 0 : i32
        %dma_wait3A_79 = arith.constant 0 : i32
        %dma_wait3A_80 = tpu.memref_slice %arg10[%dma_wait3A_78, %dma_wait3A_79] : memref<10240x128xf32, #tpu.memory_space<vmem_shared>> -> memref<10240x128xf32, #tpu.memory_space<vmem_shared>>
        tpu.wait_indirect_dma semaphore(%run_scoped3A : memref<!tpu.dma_semaphore, #tpu.memory_space<semaphore_mem>>) src(%arg9 : memref<128x128xf32, #tpu.memory_space<vmem>>) dst(%dma_wait3A_80 : memref<10240x128xf32, #tpu.memory_space<vmem_shared>>)
        tpu.yield
      }) : () -> ()
    }
    %scan3A_7 = arith.constant 4 : i32
    %barrier3A_8 = arith.constant 0 : index
    tpu.barrier barrier_id(%barrier3A_8)
    "tpu.region"() ({
      %run_scoped3A = tpu.sem_alloc : memref<!tpu.dma_semaphore, #tpu.memory_space<semaphore_mem>>
      %dma_start3A = arith.constant 0 : i32
      %dma_start3A_9 = arith.constant 0 : i32
      %dma_start3A_10 = tpu.memref_slice %arg5[%arg0, %dma_start3A, %dma_start3A_9] : memref<2x10240x128xf32, #tpu.memory_space<hbm>> -> memref<1x10240x128xf32, #tpu.memory_space<hbm>>
      %dma_start3A_11 = tpu.memref_squeeze %dma_start3A_10 : memref<1x10240x128xf32, #tpu.memory_space<hbm>> -> memref<10240x128xf32, #tpu.memory_space<hbm>>
      %dma_start3A_12 = arith.constant 0 : i32
      %dma_start3A_13 = tpu.memref_slice %dma_start3A_11[%mul3A_0, %dma_start3A_12] : memref<10240x128xf32, #tpu.memory_space<hbm>> -> memref<640x128xf32, #tpu.memory_space<hbm>>
      %dma_start3A_14 = arith.constant 0 : i32
      %dma_start3A_15 = tpu.memref_slice %arg10[%mul3A_0, %dma_start3A_14] : memref<10240x128xf32, #tpu.memory_space<vmem_shared>> -> memref<640x128xf32, #tpu.memory_space<vmem_shared>>
      tpu.enqueue_dma source(%dma_start3A_15 : memref<640x128xf32, #tpu.memory_space<vmem_shared>>) target(%dma_start3A_13 : memref<640x128xf32, #tpu.memory_space<hbm>>) target_semaphore(%run_scoped3A : memref<!tpu.dma_semaphore, #tpu.memory_space<semaphore_mem>>)
      %dma_wait3A = arith.constant 0 : i32
      %dma_wait3A_16 = arith.constant 0 : i32
      %dma_wait3A_17 = tpu.memref_slice %arg5[%arg0, %dma_wait3A, %dma_wait3A_16] : memref<2x10240x128xf32, #tpu.memory_space<hbm>> -> memref<1x10240x128xf32, #tpu.memory_space<hbm>>
      %dma_wait3A_18 = tpu.memref_squeeze %dma_wait3A_17 : memref<1x10240x128xf32, #tpu.memory_space<hbm>> -> memref<10240x128xf32, #tpu.memory_space<hbm>>
      %dma_wait3A_19 = arith.constant 0 : i32
      %dma_wait3A_20 = tpu.memref_slice %dma_wait3A_18[%mul3A_0, %dma_wait3A_19] : memref<10240x128xf32, #tpu.memory_space<hbm>> -> memref<640x128xf32, #tpu.memory_space<hbm>>
      %dma_wait3A_21 = arith.constant 0 : i32
      %dma_wait3A_22 = tpu.memref_slice %arg10[%mul3A_0, %dma_wait3A_21] : memref<10240x128xf32, #tpu.memory_space<vmem_shared>> -> memref<640x128xf32, #tpu.memory_space<vmem_shared>>
      tpu.wait_dma2 semaphore(%run_scoped3A : memref<!tpu.dma_semaphore, #tpu.memory_space<semaphore_mem>>) src(%dma_wait3A_22 : memref<640x128xf32, #tpu.memory_space<vmem_shared>>) dst(%dma_wait3A_20 : memref<640x128xf32, #tpu.memory_space<hbm>>)
      tpu.yield
    }) : () -> ()
    return
  }
}

module attributes {stable_mosaic.version = 14 : i64} {
  func.func @_xw_body(%arg0: i32, %arg1: memref<512x128xf32, #tpu.memory_space<vmem>>, %arg2: memref<128x256xf32, #tpu.memory_space<vmem>>, %arg3: memref<32x512xf32, #tpu.memory_space<vmem>>, %arg4: memref<2x512x128xf32, #tpu.memory_space<vmem>>) attributes {dimension_semantics = [#tpu.dimension_semantics<arbitrary>], iteration_bounds = array<i64: 20>, scalar_prefetch = 0 : i64, scratch_operands = 0 : i64, tpu.core_type = #tpu.core_type<tc>, window_params = [{transform_indices = @transform_0, window_bounds = array<i64: 512, 128>}, {pipeline_mode = #tpu.pipeline_mode<synchronous>, transform_indices = @transform_1, window_bounds = array<i64: 128, 256>}, {transform_indices = @transform_2, window_bounds = array<i64: 32, 512>}, {transform_indices = @transform_3, window_bounds = array<i64: 2, 512, 128>}]} {
    %get3A = arith.constant 0 : index
    %get3A_0 = arith.constant 0 : index
    %get3A_1 = vector.load %arg3[%get3A, %get3A_0] : memref<32x512xf32, #tpu.memory_space<vmem>>, vector<32x512xf32>
    %reduce_sum3A = arith.constant dense<0.000000e+00> : vector<512xf32>
    %reduce_sum3A_2 = vector.multi_reduction <add>, %get3A_1, %reduce_sum3A [0] : vector<32x512xf32> to vector<512xf32>
    %broadcast_in_dim3A = vector.shape_cast %reduce_sum3A_2 : vector<512xf32> to vector<512x1xf32>
    %add3A = arith.constant 1.000000e+00 : f32
    %add3A_3 = vector.broadcast %add3A : f32 to vector<512x1xf32>
    %add3A_4 = arith.addf %broadcast_in_dim3A, %add3A_3 : vector<512x1xf32>
    %rsqrt3A = math.rsqrt %add3A_4 : vector<512x1xf32>
    %get3A_5 = arith.constant 0 : index
    %get3A_6 = arith.constant 0 : index
    %get3A_7 = vector.load %arg1[%get3A_5, %get3A_6] : memref<512x128xf32, #tpu.memory_space<vmem>>, vector<512x128xf32>
    %get3A_8 = arith.constant 0 : index
    %get3A_9 = arith.constant 0 : index
    %get3A_10 = vector.load %arg2[%get3A_8, %get3A_9] : memref<128x256xf32, #tpu.memory_space<vmem>>, vector<128x256xf32>
    %dot_general3A = arith.constant dense<0.000000e+00> : vector<512x256xf32>
    %dot_general3A_11 = tpu.matmul %get3A_7, %get3A_10, %dot_general3A {dimension_numbers = #tpu.dot_dimension_numbers<[1], [0], [0], [1], [0, 0, 1, 1], [], []>, transpose_lhs_hint = false} : vector<512x128xf32>, vector<128x256xf32>, vector<512x256xf32> -> vector<512x256xf32>
    %mul3A = vector.broadcast %rsqrt3A : vector<512x1xf32> to vector<512x256xf32>
    %mul3A_12 = arith.mulf %dot_general3A_11, %mul3A : vector<512x256xf32>
    %slice3A = vector.extract_strided_slice %mul3A_12 {offsets = [0, 0], sizes = [512, 128], strides = [1, 1]} : vector<512x256xf32> to vector<512x128xf32>
    %swap3A = arith.constant 0 : index
    %swap3A_13 = arith.constant 0 : index
    %swap3A_14 = arith.constant 0 : index
    %swap3A_15 = vector.load %arg4[%swap3A, %swap3A_13, %swap3A_14] : memref<2x512x128xf32, #tpu.memory_space<vmem>>, vector<1x512x128xf32>
    %swap3A_16 = vector.shape_cast %swap3A_15 : vector<1x512x128xf32> to vector<512x128xf32>
    %swap3A_17 = vector.shape_cast %slice3A : vector<512x128xf32> to vector<1x512x128xf32>
    tpu.vector_store %arg4[%swap3A, %swap3A_13, %swap3A_14], %swap3A_17 {strides = array<i32>} : memref<2x512x128xf32, #tpu.memory_space<vmem>>, vector<1x512x128xf32>,
    %slice3A_18 = vector.extract_strided_slice %mul3A_12 {offsets = [0, 128], sizes = [512, 128], strides = [1, 1]} : vector<512x256xf32> to vector<512x128xf32>
    %swap3A_19 = arith.constant 1 : index
    %swap3A_20 = arith.constant 0 : index
    %swap3A_21 = arith.constant 0 : index
    %swap3A_22 = vector.load %arg4[%swap3A_19, %swap3A_20, %swap3A_21] : memref<2x512x128xf32, #tpu.memory_space<vmem>>, vector<1x512x128xf32>
    %swap3A_23 = vector.shape_cast %swap3A_22 : vector<1x512x128xf32> to vector<512x128xf32>
    %swap3A_24 = vector.shape_cast %slice3A_18 : vector<512x128xf32> to vector<1x512x128xf32>
    tpu.vector_store %arg4[%swap3A_19, %swap3A_20, %swap3A_21], %swap3A_24 {strides = array<i32>} : memref<2x512x128xf32, #tpu.memory_space<vmem>>, vector<1x512x128xf32>,
    return
  }
  func.func @transform_0(%arg0: i32) -> (i32, i32) {
    %c0_i32 = arith.constant 0 : i32
    %c0_i32_0 = arith.constant 0 : i32
    return %arg0, %c0_i32 : i32, i32
  }
  func.func @transform_1(%arg0: i32) -> (i32, i32) {
    %c0_i32 = arith.constant 0 : i32
    %c0_i32_0 = arith.constant 0 : i32
    %c0_i32_1 = arith.constant 0 : i32
    return %c0_i32, %c0_i32_0 : i32, i32
  }
  func.func @transform_2(%arg0: i32) -> (i32, i32) {
    %c0_i32 = arith.constant 0 : i32
    %c0_i32_0 = arith.constant 0 : i32
    return %c0_i32, %arg0 : i32, i32
  }
  func.func @transform_3(%arg0: i32) -> (i32, i32, i32) {
    %c0_i32 = arith.constant 0 : i32
    %c0_i32_0 = arith.constant 0 : i32
    %c0_i32_1 = arith.constant 0 : i32
    return %c0_i32, %arg0, %c0_i32_0 : i32, i32, i32
  }
}

module attributes {stable_mosaic.version = 14 : i64} {
  func.func @_mid_body(%arg0: i32, %arg1: memref<2x512x128xf32, #tpu.memory_space<vmem>>, %arg2: memref<32x512xf32, #tpu.memory_space<vmem>>, %arg3: memref<256x128xf32, #tpu.memory_space<vmem>>, %arg4: memref<1x256xf32, #tpu.memory_space<vmem>>, %arg5: memref<2x512x128xf32, #tpu.memory_space<vmem>>) attributes {dimension_semantics = [#tpu.dimension_semantics<arbitrary>], iteration_bounds = array<i64: 20>, scalar_prefetch = 0 : i64, scratch_operands = 0 : i64, tpu.core_type = #tpu.core_type<tc>, window_params = [{transform_indices = @transform_0, window_bounds = array<i64: 2, 512, 128>}, {transform_indices = @transform_1, window_bounds = array<i64: 32, 512>}, {pipeline_mode = #tpu.pipeline_mode<synchronous>, transform_indices = @transform_2, window_bounds = array<i64: 256, 128>}, {pipeline_mode = #tpu.pipeline_mode<synchronous>, transform_indices = @transform_3, window_bounds = array<i64: 1, 256>}, {transform_indices = @transform_4, window_bounds = array<i64: 2, 512, 128>}]} {
    %get3A = arith.constant 0 : index
    %get3A_0 = arith.constant 0 : index
    %get3A_1 = vector.load %arg2[%get3A, %get3A_0] : memref<32x512xf32, #tpu.memory_space<vmem>>, vector<32x512xf32>
    %reduce_sum3A = arith.constant dense<0.000000e+00> : vector<512xf32>
    %reduce_sum3A_2 = vector.multi_reduction <add>, %get3A_1, %reduce_sum3A [0] : vector<32x512xf32> to vector<512xf32>
    %broadcast_in_dim3A = vector.shape_cast %reduce_sum3A_2 : vector<512xf32> to vector<512x1xf32>
    %add3A = arith.constant 1.000000e+00 : f32
    %add3A_3 = vector.broadcast %add3A : f32 to vector<512x1xf32>
    %add3A_4 = arith.addf %broadcast_in_dim3A, %add3A_3 : vector<512x1xf32>
    %rsqrt3A = math.rsqrt %add3A_4 : vector<512x1xf32>
    %get3A_5 = arith.constant 0 : index
    %get3A_6 = arith.constant 0 : index
    %get3A_7 = arith.constant 0 : index
    %get3A_8 = vector.load %arg1[%get3A_5, %get3A_6, %get3A_7] : memref<2x512x128xf32, #tpu.memory_space<vmem>>, vector<1x512x128xf32>
    %get3A_9 = vector.shape_cast %get3A_8 : vector<1x512x128xf32> to vector<512x128xf32>
    %get3A_10 = arith.constant 1 : index
    %get3A_11 = arith.constant 0 : index
    %get3A_12 = arith.constant 0 : index
    %get3A_13 = vector.load %arg1[%get3A_10, %get3A_11, %get3A_12] : memref<2x512x128xf32, #tpu.memory_space<vmem>>, vector<1x512x128xf32>
    %get3A_14 = vector.shape_cast %get3A_13 : vector<1x512x128xf32> to vector<512x128xf32>
    %concatenate3A = tpu.concatenate %get3A_9, %get3A_14 in 1 : vector<512x128xf32>, vector<512x128xf32> -> vector<512x256xf32>
    %mul3A = vector.broadcast %rsqrt3A : vector<512x1xf32> to vector<512x256xf32>
    %mul3A_15 = arith.mulf %concatenate3A, %mul3A : vector<512x256xf32>
    %get3A_16 = arith.constant 0 : index
    %get3A_17 = arith.constant 0 : index
    %get3A_18 = vector.load %arg4[%get3A_16, %get3A_17] : memref<1x256xf32, #tpu.memory_space<vmem>>, vector<1x256xf32>
    %add3A_19 = vector.broadcast %get3A_18 : vector<1x256xf32> to vector<512x256xf32>
    %add3A_20 = arith.addf %mul3A_15, %add3A_19 : vector<512x256xf32>
    %max3A = arith.constant 0.000000e+00 : f32
    %max3A_21 = vector.broadcast %max3A : f32 to vector<512x256xf32>
    %max3A_22 = arith.maximumf %add3A_20, %max3A_21 : vector<512x256xf32>
    %get3A_23 = arith.constant 0 : index
    %get3A_24 = arith.constant 0 : index
    %get3A_25 = vector.load %arg3[%get3A_23, %get3A_24] : memref<256x128xf32, #tpu.memory_space<vmem>>, vector<256x128xf32>
    %dot_general3A = arith.constant dense<0.000000e+00> : vector<512x128xf32>
    %dot_general3A_26 = tpu.matmul %max3A_22, %get3A_25, %dot_general3A {dimension_numbers = #tpu.dot_dimension_numbers<[1], [0], [0], [1], [0, 0, 1, 1], [], []>, transpose_lhs_hint = false} : vector<512x256xf32>, vector<256x128xf32>, vector<512x128xf32> -> vector<512x128xf32>
    %mul3A_27 = vector.broadcast %rsqrt3A : vector<512x1xf32> to vector<512x128xf32>
    %mul3A_28 = arith.mulf %dot_general3A_26, %mul3A_27 : vector<512x128xf32>
    %swap3A = arith.constant 0 : index
    %swap3A_29 = arith.constant 0 : index
    %swap3A_30 = arith.constant 0 : index
    %swap3A_31 = vector.load %arg5[%swap3A, %swap3A_29, %swap3A_30] : memref<2x512x128xf32, #tpu.memory_space<vmem>>, vector<1x512x128xf32>
    %swap3A_32 = vector.shape_cast %swap3A_31 : vector<1x512x128xf32> to vector<512x128xf32>
    %swap3A_33 = vector.shape_cast %mul3A_28 : vector<512x128xf32> to vector<1x512x128xf32>
    tpu.vector_store %arg5[%swap3A, %swap3A_29, %swap3A_30], %swap3A_33 {strides = array<i32>} : memref<2x512x128xf32, #tpu.memory_space<vmem>>, vector<1x512x128xf32>,
    %swap3A_34 = arith.constant 1 : index
    %swap3A_35 = arith.constant 0 : index
    %swap3A_36 = arith.constant 0 : index
    %swap3A_37 = vector.load %arg5[%swap3A_34, %swap3A_35, %swap3A_36] : memref<2x512x128xf32, #tpu.memory_space<vmem>>, vector<1x512x128xf32>
    %swap3A_38 = vector.shape_cast %swap3A_37 : vector<1x512x128xf32> to vector<512x128xf32>
    %swap3A_39 = vector.shape_cast %mul3A_28 : vector<512x128xf32> to vector<1x512x128xf32>
    tpu.vector_store %arg5[%swap3A_34, %swap3A_35, %swap3A_36], %swap3A_39 {strides = array<i32>} : memref<2x512x128xf32, #tpu.memory_space<vmem>>, vector<1x512x128xf32>,
    return
  }
  func.func @transform_0(%arg0: i32) -> (i32, i32, i32) {
    %c0_i32 = arith.constant 0 : i32
    %c0_i32_0 = arith.constant 0 : i32
    %c0_i32_1 = arith.constant 0 : i32
    return %c0_i32, %arg0, %c0_i32_0 : i32, i32, i32
  }
  func.func @transform_1(%arg0: i32) -> (i32, i32) {
    %c0_i32 = arith.constant 0 : i32
    %c0_i32_0 = arith.constant 0 : i32
    return %c0_i32, %arg0 : i32, i32
  }
  func.func @transform_2(%arg0: i32) -> (i32, i32) {
    %c0_i32 = arith.constant 0 : i32
    %c0_i32_0 = arith.constant 0 : i32
    %c0_i32_1 = arith.constant 0 : i32
    return %c0_i32, %c0_i32_0 : i32, i32
  }
  func.func @transform_3(%arg0: i32) -> (i32, i32) {
    %c0_i32 = arith.constant 0 : i32
    %c0_i32_0 = arith.constant 0 : i32
    %c0_i32_1 = arith.constant 0 : i32
    return %c0_i32, %c0_i32_0 : i32, i32
  }
  func.func @transform_4(%arg0: i32) -> (i32, i32, i32) {
    %c0_i32 = arith.constant 0 : i32
    %c0_i32_0 = arith.constant 0 : i32
    %c0_i32_1 = arith.constant 0 : i32
    return %c0_i32, %arg0, %c0_i32_0 : i32, i32, i32
  }
}

module attributes {stable_mosaic.version = 14 : i64} {
  func.func @_fin_body(%arg0: i32, %arg1: memref<2x512x128xf32, #tpu.memory_space<vmem>>, %arg2: memref<512x128xf32, #tpu.memory_space<vmem>>, %arg3: memref<32x512xf32, #tpu.memory_space<vmem>>, %arg4: memref<1x128xf32, #tpu.memory_space<vmem>>, %arg5: memref<512x128xf32, #tpu.memory_space<vmem>>) attributes {dimension_semantics = [#tpu.dimension_semantics<arbitrary>], iteration_bounds = array<i64: 20>, scalar_prefetch = 0 : i64, scratch_operands = 0 : i64, tpu.core_type = #tpu.core_type<tc>, window_params = [{transform_indices = @transform_0, window_bounds = array<i64: 2, 512, 128>}, {transform_indices = @transform_1, window_bounds = array<i64: 512, 128>}, {transform_indices = @transform_2, window_bounds = array<i64: 32, 512>}, {pipeline_mode = #tpu.pipeline_mode<synchronous>, transform_indices = @transform_3, window_bounds = array<i64: 1, 128>}, {transform_indices = @transform_4, window_bounds = array<i64: 512, 128>}]} {
    %get3A = arith.constant 0 : index
    %get3A_0 = arith.constant 0 : index
    %get3A_1 = vector.load %arg3[%get3A, %get3A_0] : memref<32x512xf32, #tpu.memory_space<vmem>>, vector<32x512xf32>
    %reduce_sum3A = arith.constant dense<0.000000e+00> : vector<512xf32>
    %reduce_sum3A_2 = vector.multi_reduction <add>, %get3A_1, %reduce_sum3A [0] : vector<32x512xf32> to vector<512xf32>
    %broadcast_in_dim3A = vector.shape_cast %reduce_sum3A_2 : vector<512xf32> to vector<512x1xf32>
    %add3A = arith.constant 1.000000e+00 : f32
    %add3A_3 = vector.broadcast %add3A : f32 to vector<512x1xf32>
    %add3A_4 = arith.addf %broadcast_in_dim3A, %add3A_3 : vector<512x1xf32>
    %rsqrt3A = math.rsqrt %add3A_4 : vector<512x1xf32>
    %get3A_5 = arith.constant 0 : index
    %get3A_6 = arith.constant 0 : index
    %get3A_7 = arith.constant 0 : index
    %get3A_8 = vector.load %arg1[%get3A_5, %get3A_6, %get3A_7] : memref<2x512x128xf32, #tpu.memory_space<vmem>>, vector<1x512x128xf32>
    %get3A_9 = vector.shape_cast %get3A_8 : vector<1x512x128xf32> to vector<512x128xf32>
    %get3A_10 = arith.constant 1 : index
    %get3A_11 = arith.constant 0 : index
    %get3A_12 = arith.constant 0 : index
    %get3A_13 = vector.load %arg1[%get3A_10, %get3A_11, %get3A_12] : memref<2x512x128xf32, #tpu.memory_space<vmem>>, vector<1x512x128xf32>
    %get3A_14 = vector.shape_cast %get3A_13 : vector<1x512x128xf32> to vector<512x128xf32>
    %add3A_15 = arith.addf %get3A_9, %get3A_14 : vector<512x128xf32>
    %get3A_16 = arith.constant 0 : index
    %get3A_17 = arith.constant 0 : index
    %get3A_18 = vector.load %arg2[%get3A_16, %get3A_17] : memref<512x128xf32, #tpu.memory_space<vmem>>, vector<512x128xf32>
    %sub3A = arith.subf %add3A_15, %get3A_18 : vector<512x128xf32>
    %mul3A = vector.broadcast %rsqrt3A : vector<512x1xf32> to vector<512x128xf32>
    %mul3A_19 = arith.mulf %sub3A, %mul3A : vector<512x128xf32>
    %get3A_20 = arith.constant 0 : index
    %get3A_21 = arith.constant 0 : index
    %get3A_22 = vector.load %arg4[%get3A_20, %get3A_21] : memref<1x128xf32, #tpu.memory_space<vmem>>, vector<1x128xf32>
    %add3A_23 = vector.broadcast %get3A_22 : vector<1x128xf32> to vector<512x128xf32>
    %add3A_24 = arith.addf %mul3A_19, %add3A_23 : vector<512x128xf32>
    %swap3A = arith.constant 0 : index
    %swap3A_25 = arith.constant 0 : index
    %swap3A_26 = vector.load %arg5[%swap3A, %swap3A_25] : memref<512x128xf32, #tpu.memory_space<vmem>>, vector<512x128xf32>
    tpu.vector_store %arg5[%swap3A, %swap3A_25], %add3A_24 {strides = array<i32>} : memref<512x128xf32, #tpu.memory_space<vmem>>, vector<512x128xf32>,
    return
  }
  func.func @transform_0(%arg0: i32) -> (i32, i32, i32) {
    %c0_i32 = arith.constant 0 : i32
    %c0_i32_0 = arith.constant 0 : i32
    %c0_i32_1 = arith.constant 0 : i32
    return %c0_i32, %arg0, %c0_i32_0 : i32, i32, i32
  }
  func.func @transform_1(%arg0: i32) -> (i32, i32) {
    %c0_i32 = arith.constant 0 : i32
    %c0_i32_0 = arith.constant 0 : i32
    return %arg0, %c0_i32 : i32, i32
  }
  func.func @transform_2(%arg0: i32) -> (i32, i32) {
    %c0_i32 = arith.constant 0 : i32
    %c0_i32_0 = arith.constant 0 : i32
    return %c0_i32, %arg0 : i32, i32
  }
  func.func @transform_3(%arg0: i32) -> (i32, i32) {
    %c0_i32 = arith.constant 0 : i32
    %c0_i32_0 = arith.constant 0 : i32
    %c0_i32_1 = arith.constant 0 : i32
    return %c0_i32, %c0_i32_0 : i32, i32
  }
  func.func @transform_4(%arg0: i32) -> (i32, i32) {
    %c0_i32 = arith.constant 0 : i32
    %c0_i32_0 = arith.constant 0 : i32
    return %arg0, %c0_i32 : i32, i32
  }
}

</mosaic_0001>

<sc_bundles>
// kernel: kernel.11.cloned.1.call-start
scs
__scs_entry_jumppad:
0x0: {  	(pc) =	sbr.rel $0x88, $3  }
0x1: {  	(tag) =	ssettag $0x0;
	lr =	simm.s32 $0x1  }
0x2: {  	[smem:$0x3F9B] =	sst lr;
	_ =	strace $0xD0000000  }
0x3: {  	_ = 	snop  }
0x4: {  	_ = 	snop  }
0x5: {  	_ = 	snop  }
0x6: {  	_ = 	snop  }
0x7: {  	_ = 	snop  }
__scs_overlays_trampoline_lowered:
0x8: {  	[smem:$0x3FAA] =	sst s0  }
0x9: {  	[smem:$0x3FAB] =	sst s1  }
0xa: {  	[smem:$0x3FAC] =	sst s2  }
0xb: {  	[smem:$0x3FAD] =	sst s3  }
0xc: {  	[smem:$0x3FAE] =	sst s4  }
0xd: {  	[smem:$0x3FAF] =	sst s5  }
0xe: {  	[smem:$0x3FB0] =	sst s6  }
0xf: {  	[smem:$0x3FB1] =	sst s7  }
0x10: {  	[smem:$0x3FB2] =	sst s8  }
0x11: {  	[smem:$0x3FB3] =	sst s9;
	s0 =	simm.s32 @!p0 $0x0  }
0x12: {  	s1 =	sld [smem:$0x3F99];
	s0 =	simm.s32 @p0 $0x1  }
0x13: {  	[smem:$0x3FB4] =	sst s0;
	s0 =	simm.s32 @!p1 $0x0  }
0x14: {  	s2 =	sld [smem:$0x3F98];
	s0 =	simm.s32 @p1 $0x1  }
0x15: {  	[smem:$0x3FB5] =	sst s0;
	s0 =	simm.s32 @!p2 $0x0  }
0x16: {  	s3 =	sld [smem:$0x3FDB];
	s0 =	simm.s32 @p2 $0x1  }
0x17: {  	s4 =	simm.s32 $0x1BF5;
	[smem:$0x3FB7] =	sst s0  }
0x18: {  	s0 =	sld [smem:$0x3F9A];
	_ =	swait.ge [sflag:s4], $0x0  }
0x19: {  	s7 =	sld [smem:$0x3F9B]  }
0x1a: {  	s8 =	sadd.s32 $0xFFFFE003, lr  }
0x1b: {  	s9 =	sadd.s32 $0xFFFFFEF7, lr;
	s5 =	simm.s32 $0xFFFFFFFF;
	p2 =	slt.u32 s8, $0xFFFFF086  }
0x1c: {  	p1 =	slt.u32 s9, $0xF7A;
	s5 =	simm.s32 @!p2 $0x0  }
0x1d: {  	s5 =	simm.s32 @p1 $0x1;
	p0 =	seq.s32 s7, s2  }
0x1e: {  	s7 =	smul.u32 @!p0 $0xF7A, s2;
	p2 =	seq.s32 @!p0 s5, $0x0  }
0x1f: {  	s9 =	smul.u32 $0xF7A, s1;
	s8 =	simm.s32 @!p0 $0x1BF5;
	p2 =	por !p2, p0  }
0x20: {  	[sflag:s8] =	ssyncset.s32 @!p0 $0xFFFFF086;
	s6 =	sadd.s32 @!p0 s3, s7;
	s7 =	simm.s32 @!p0 $0x108  }
0x21: {  	s3 =	sadd.s32 s3, s9;
	s6 =	sadd.s32 @!p0 $0x88, s6;
	s7 =	simm.s32 @p2 $0x1082  }
0x22: {  	[simem:s7], [sflag:s8] =	dma.local @!p0 [hbm:s6], $0xF7A  }
0x23: {  	s9 =	sor.u32 $0xD0000000, s2;
	s6 =	simm.s32 $0x108;
	_ =	swait.ge @!p0 [sflag:s8], $0x0  }
0x24: {  	s3 =	sadd.s32 $0x88, s3;
	s6 =	simm.s32 @!p1 $0x1082;
	[sflag:s4] =	ssyncset.s32 $0xFFFFF086  }
0x25: {  	[simem:s6], [sflag:s4] =	dma.local [hbm:s3], $0xF7A  }
0x26: {  	[smem:$0x3F9B] =	sst s1;
	(tag) =	ssettag s2;
	_ =	strace s9  }
0x27: {  	s1 =	sld [smem:$0x3FAB]  }
0x28: {  	s2 =	sld [smem:$0x3FAC]  }
0x29: {  	s4 =	sld [smem:$0x3FAE]  }
0x2a: {  	p0 =	seq.s32 s5, $0x0;
	s5 =	sld [smem:$0x3FAF]  }
0x2b: {  	s6 =	sld [smem:$0x3FB0]  }
0x2c: {  	s7 =	sld [smem:$0x3FB1]  }
0x2d: {  	s3 =	simm.s32 $0x108;
	s8 =	sld [smem:$0x3FB2]  }
0x2e: {  	s3 =	simm.s32 @!p0 $0x1082;
	s9 =	sld [smem:$0x3FB3]  }
0x2f: {  	lr =	sadd.s32 s0, s3;
	s0 =	sld [smem:$0x3FAA]  }
0x30: {  	s3 =	sld [smem:$0x3FAD]  }
0x31: {  	[smem:$0x3FB6] =	sst s10  }
0x32: {  	s10 =	sld [smem:$0x3FB4];
	_ =	sdelay $0x3  }
0x33: {  	p0 =	seq.s32 s10, $0x1;
	s10 =	sld [smem:$0x3FB6];
	_ =	sdelay $0x3  }
0x34: {  	[smem:$0x3FB6] =	sst s10  }
0x35: {  	s10 =	sld [smem:$0x3FB5];
	_ =	sdelay $0x3  }
0x36: {  	p1 =	seq.s32 s10, $0x1;
	s10 =	sld [smem:$0x3FB6];
	_ =	sdelay $0x3  }
0x37: {  	[smem:$0x3FB6] =	sst s10  }
0x38: {  	s10 =	sld [smem:$0x3FB7]  }
0x39: {  	_ = 	snop;
	(pc) =	sbr.ind lr, $3  }
0x3a: {  	_ = 	snop  }
0x3b: {  	_ = 	snop  }
0x3c: {  	p2 =	seq.s32 s10, $0x1;
	s10 =	sld [smem:$0x3FB6]  }
0x3d: {  	_ =	shalt  }
0x3e: {  	_ =	shalt  }
0x3f: {  	_ =	shalt  }
0x40: {  	_ =	shalt  }
0x41: {  	_ =	shalt  }
0x42: {  	_ =	shalt  }
0x43: {  	_ =	shalt  }
0x44: {  	_ =	shalt  }
0x45: {  	_ =	shalt  }
0x46: {  	_ =	shalt  }
0x47: {  	_ =	shalt  }
0x48: {  	_ =	shalt  }
0x49: {  	_ =	shalt  }
0x4a: {  	_ =	shalt  }
0x4b: {  	_ =	shalt  }
0x4c: {  	_ =	shalt  }
0x4d: {  	_ =	shalt  }
0x4e: {  	_ =	shalt  }
0x4f: {  	_ =	shalt  }
0x50: {  	_ =	shalt  }
0x51: {  	_ =	shalt  }
0x52: {  	_ =	shalt  }
0x53: {  	_ =	shalt  }
0x54: {  	_ =	shalt  }
0x55: {  	_ =	shalt  }
0x56: {  	_ =	shalt  }
0x57: {  	_ =	shalt  }
0x58: {  	_ =	shalt  }
0x59: {  	_ =	shalt  }
0x5a: {  	_ =	shalt  }
0x5b: {  	_ =	shalt  }
0x5c: {  	_ =	shalt  }
0x5d: {  	_ =	shalt  }
0x5e: {  	_ =	shalt  }
0x5f: {  	_ =	shalt  }
0x60: {  	_ =	shalt  }
0x61: {  	_ =	shalt  }
0x62: {  	_ =	shalt  }
0x63: {  	_ =	shalt  }
0x64: {  	_ =	shalt  }
0x65: {  	_ =	shalt  }
0x66: {  	_ =	shalt  }
0x67: {  	_ =	shalt  }
0x68: {  	_ =	shalt  }
0x69: {  	_ =	shalt  }
0x6a: {  	_ =	shalt  }
0x6b: {  	_ =	shalt  }
0x6c: {  	_ =	shalt  }
0x6d: {  	_ =	shalt  }
0x6e: {  	_ =	shalt  }
0x6f: {  	_ =	shalt  }
0x70: {  	_ =	shalt  }
0x71: {  	_ =	shalt  }
0x72: {  	_ =	shalt  }
0x73: {  	_ =	shalt  }
0x74: {  	_ =	shalt  }
0x75: {  	_ =	shalt  }
0x76: {  	_ =	shalt  }
0x77: {  	_ =	shalt  }
0x78: {  	_ =	shalt  }
0x79: {  	_ =	shalt  }
0x7a: {  	_ =	shalt  }
0x7b: {  	_ =	shalt  }
0x7c: {  	_ =	shalt  }
0x7d: {  	_ =	shalt  }
0x7e: {  	_ =	shalt  }
0x7f: {  	_ =	shalt  }
0x80: {  	_ =	shalt  }
0x81: {  	_ =	shalt  }
0x82: {  	_ =	shalt  }
0x83: {  	_ =	shalt  }
0x84: {  	_ =	shalt  }
0x85: {  	_ =	shalt  }
0x86: {  	_ =	shalt  }
0x87: {  	_ =	shalt  }
.Lfunc_end0:
.L_simem_size_0:
called_computation.1_lowered:
.L_overlay_start_0:
0x88: {  	s2 =	sld [smem:$0x3FD9]  }
0x89: {  	s3 =	sld [smem:$0x3FFE];
	_ =	sdelay $0x1  }
0x8a: {  	s1 =	srdreg.scid  }
0x8b: {  	s0 =	sand.u32 $0x1, s1  }
0x8c: {  	s17 =	sshll.u32 s0, $0xA;
	s2 =	sadd.s32 s3, s2  }
0x8d: {  	s2 =	sadd.s32 s2, s17  }
0x8e: {  	[smem:$0x3FC2] =	sst s2  }
0x8f: {  	_ = 	snop  }
0x90: {  	s2 =	sld [smem:$0x3FD0];
	(tm) =	ssettm $0x1  }
0x91: {  	s18 =	sld [smem:$0x3FFB];
	_ =	sdelay $0x3  }
0x92: {  	_ =	strace s18  }
0x93: {  	s3 =	sld [smem:$0x3FFC];
	_ =	sdelay $0x3  }
0x94: {  	_ =	strace s3  }
0x95: {  	s3 =	sld [smem:$0x3FFD];
	_ =	sdelay $0x3  }
0x96: {  	_ =	strace s3  }
0x97: {  	_ =	strace $0x8FFFFFFF  }
0x98: {  	s19 =	sld [smem:$0x3FDB];
	_ =	sdelay $0x1  }
0x99: {  	s4 =	simm.s32 $_scs_section_size  }
0x9a: {  	s5 =	simm.s32 $_size__tile_overlayer_lowered;
	s6 =	simm.s32 $_tile_overlayer_lowered  }
0x9b: {  	s22 =	simm.s32 $0x1BFF;
	s21 =	sshll.u32 s6, $0x1;
	s3 =	sadd.s32 s4, s19  }
0x9c: {  	s7 =	simm.s32 $0x0;
	s20 =	sshll.u32 s5, $0x1;
	s5 =	sadd.s32 s21, s3  }
0x9d: {  	[timem:s7], [sflag:s22] =	dma.local [hbm:s5], s20  }
0x9e: {  	_ =	swait.ge [sflag:s22], s20  }
0x9f: {  	s4 =	ssub.s32 $0x0, s20;
	[sflag:s22] =	ssyncset.done $0x0  }
0xa0: {  	[sflag:s22] =	ssyncadd.s32 s4;
	_ =	sdelay $0x1  }
0xa1: {  	s23 =	simm.s32 $0x1B8B  }
0xa2: {  	_ =	swait.ge [sflag:s23], $0x1  }
0xa3: {  	[sflag:s23] =	ssyncset.done $0x0  }
0xa4: {  	s25 =	simm.s32 $0x1B8E;
	s24 =	sld [smem:$0x3FFE];
	[sflag:s23] =	ssyncadd.s32 $0xFFFFFFFF  }
0xa5: {  	s26 =	simm.s32 $execute0_lowered;
	[smem:$0x3FD2] =	sst s25  }
0xa6: {  	s5 =	sshll.u32 s26, $0x1;
	_ =	strace $0x80000049;
	[dreg:$0x1] =	wrdreg $0xFFFFFFFF  }
0xa7: {  	s28 =	simm.s32 $_size_execute0_lowered;
	s3 =	sadd.s32 s3, s5;
	[dreg:$0x0] =	wrdreg $0x0  }
0xa8: {  	s5 =	sshll.u32 s28, $0x1;
	[dreg:$0x2] =	wrdreg s3  }
0xa9: {  	[dreg:$0x3] =	wrdreg s5  }
0xaa: {  	[dreg:$0x4] =	wrdreg $0xC0  }
0xab: {  	_ =	task [dreg:s7], $0x5FFFF  }
0xac: {  	[dreg:$0x1] =	wrdreg $0xFFFFFFFF  }
0xad: {  	[dreg:$0x0] =	wrdreg $0x60  }
0xae: {  	[dreg:$0x2] =	wrdreg s2  }
0xaf: {  	[dreg:$0x3] =	wrdreg s24  }
0xb0: {  	[dreg:$0x4] =	wrdreg $0xA8000  }
0xb1: {  	[dreg:$0x5] =	wrdreg $0x9  }
0xb2: {  	_ =	task.clear_ibuf [dreg:s7], $0x6FFFF;
	_ =	strace $0x90000049  }
0xb3: {  	s29 =	simm.s32 $0x9;
	_ =	strace $0x8000004B  }
0xb4: {  	_ =	swait.ge [sflag:s29], $0x1  }
0xb5: {  	[sflag:s29] =	ssyncadd.s32 $0xFFFFFFFF  }
0xb6: {  	_ =	strace $0x9000004B  }
0xb7: {  	_ =	sfence  }
0xb8: {  	s30 =	sld [smem:$0x0];
	_ =	sdelay $0x2  }
0xb9: {  	s31 =	sshll.u32 s1, $0xD;
	s1 =	sshrl.u32 s1, $0x2  }
0xba: {  	s3 =	sand.u32 $0x4000, s31;
	s1 =	sadd.s32 s1, s30  }
0xbb: {  	s0 =	sor.u32 s3, s0;
	s1 =	sshll.u32 s1, $0x11  }
0xbc: {  	s0 =	sor.u32 s1, s0  }
0xbd: {  	s0 =	sadd.s32 $0x8F2B, s0  }
0xbe: {  	[sflag:s0] =	ssyncadd.remote.s32 $0x1  }
0xbf: {  	_ =	sfence.sel $0xFFFF  }
0xc0: {  	[dreg:$0x0] =	wrdreg $0xFFFFFFFF;
	(pc) =	sbr.abs _section_cstart, $3  }
0xc1: {  	[dreg:$0x1] =	wrdreg $0xFFFFFFFF  }
0xc2: {  	_ =	task.clear_ibuf [dreg:s7], $0x2FFFF;
	_ =	strace $0x9FFFFFFF  }
0xc3: {  	(tm) =	ssettm $0x7FFFFFFF  }
tec
execute0_lowered:
.L_overlay_start_1:
0x0: {  	(tag) =	ssettag $0x1  }
0x1: {  	s7 =	rddreg [dreg:$0x0]  }
0x2: {  	s4 =	rddreg [dreg:$0x1]  }
0x3: {  	s2 =	rddreg [dreg:$0x2]  }
0x4: {  	s0 =	rddreg [dreg:$0x3]  }
0x5: {  	s3 =	simm.s32 $0x0;
	s1 =	stileid.u32;
	s5 =	srdreg.scid  }
0x6: {  	s13 =	simm.s32 $0x80;
	s14 =	simm.s32 $0x2800;
	s15 =	simm.s32 $0x6800  }
0x7: {  	s16 =	simm.s32 $0x1;
	s17 =	simm.s32 $0x2;
	s8 =	smul.u32 $0xA00, s1  }
0x8: {  	s18 =	simm.s32 $0x2700;
	s19 =	simm.s32 $0x2780;
	s11 =	smul.u32 $0x50000, s1  }
0x9: {  	[smem:$0x7FF] =	sst s3;
	s5 =	sand.u32 $0x1, s5;
	s20 =	smul.u32 $0x2800, s1  }
0xa: {  	s31 =	sshll.u32 s1, $0x6;
	s6 =	smul.u32 $0x28000, s5;
	s5 =	ssub.s32 $0x2, s5  }
0xb: {  	_ =	strace $0x8000004A;
	s9 =	sadd.s32 s8, s4;
	s10 =	sshrl.u32 s5, $0x1  }
0xc: {  	s30 =	sshrl.u32 s11, $0x2;
	s7 =	sadd.s32 s7, s8;
	s12 =	sadd.s32 s6, s4  }
0xd: {  	s10 =	ssub.s32 s5, s10;
	s11 =	sadd.s32 s30, s2;
	s6 =	sor.u32 $0x1C03, s31  }
0xe: {  	s8 =	sadd.s32 $0x2400, s9;
	s4 =	sadd.s32 $0x20A00, s12;
	s21 =	sadd.s32 $0x70A00, s12  }
0xf: {  	s9 =	smax.u32 s10, $0x1;
	s10 =	sshrl.u32 s11, $0x3;
	s11 =	simm.s32 $0x3  }
0x10: {  	s12 =	simm.s32 $0x1400;
	s5 =	sadd.s32 s20, s4;
	s20 =	sadd.s32 s20, s21  }
.LBB2_1:
0x11: {  	[spmem:s10], [sflag:s6] =	dma.local [hbm:s5], $0x2800  }
0x12: {  	_ =	swait.ge [sflag:s11], $0x2800  }
0x13: {  	[sflag:s11] =	ssyncset.done $0x0  }
0x14: {  	[sflag:s11] =	ssyncadd.s32 $0xFFFFD800  }
0x15: {  	s21 =	simm.s32 $0x0;
	[bflag:$0x0] =	sbarrier.arrive $0xFFFF  }
.LBB2_2:
0x16: {  	s22 =	smul.u32 $0x280, s21;
	_ =	sdelay $0x1  }
0x17: {  	s24 =	simm.s32 $0x0;
	s23 =	sadd.s32 s22, s7  }
0x18: {  	[tilespmem:s24], [sflag:$0x3] =	stream.linear.gather [hbm4b:s23+s24], $0x1400, $0x38;
	[tilespmem:$0x1E800] =	vst v63  }
0x19: {  	_ =	swait.ge [sflag:s11], $0x1400  }
0x1a: {  	[sflag:s11] =	ssyncset.done $0x0  }
0x1b: {  	s22 =	sadd.s32 s22, s8;
	[sflag:s11] =	ssyncadd.s32 $0xFFFFEC00  }
0x1c: {  	[tilespmem:s12], [sflag:$0x3] =	stream.linear.gather [hbm4b:s22+s24], $0x1400, $0x38;
	[tilespmem:$0x1E800] =	vst v63  }
0x1d: {  	_ =	swait.ge [sflag:s11], $0x1400  }
0x1e: {  	[sflag:s11] =	ssyncset.done $0x0  }
0x1f: {  	[sflag:s11] =	ssyncadd.s32 $0xFFFFEC00  }
0x20: {  	[tilespmem:s14], [sflag:$0x1] =	stream.indirect.gather [hbm4b:s4+s13], $0x80, s24, s13, $0xb8;
	[tilespmem:$0x1E800] =	vst v63  }
0x21: {  	_ = 	snop  }
0x22: {  	[tilespmem:s15], [sflag:$0x2] =	stream.indirect.gather [hbm4b:s4+s13], $0x80, s13, s13, $0xb8;
	[tilespmem:$0x1E800] =	vst v63  }
0x23: {  	_ =	swait.ge [sflag:s16], $0x4000  }
0x24: {  	[sflag:s16] =	ssyncset.done $0x0  }
0x25: {  	s29 =	simm.s32 $0x1400;
	[sflag:s16] =	ssyncadd.s32 $0xFFFFC000  }
0x26: {  	[spmem:s2] =	stream.indirect.scatter.add.f32 [tilespmem:s14], [sflag:$0x3], $0x80, s29, s13, $0xb8;
	[tilespmem:$0x1E800] =	vst v63  }
0x27: {  	_ =	swait.ge [sflag:s11], $0x4000  }
0x28: {  	[sflag:s11] =	ssyncset.done $0x0  }
0x29: {  	s30 =	simm.s32 $0x100;
	[sflag:s11] =	ssyncadd.s32 $0xFFFFC000  }
0x2a: {  	[tilespmem:s14], [sflag:$0x1] =	stream.indirect.gather [hbm4b:s4+s13], $0x80, s30, s13, $0xb8;
	[tilespmem:$0x1E800] =	vst v63  }
0x2b: {  	_ =	swait.ge [sflag:s17], $0x4000  }
0x2c: {  	[sflag:s17] =	ssyncset.done $0x0  }
0x2d: {  	s31 =	simm.s32 $0x1480;
	[sflag:s17] =	ssyncadd.s32 $0xFFFFC000  }
0x2e: {  	[spmem:s2] =	stream.indirect.scatter.add.f32 [tilespmem:s15], [sflag:$0x3], $0x80, s31, s13, $0xb8;
	[tilespmem:$0x1E800] =	vst v63  }
0x2f: {  	_ =	swait.ge [sflag:s11], $0x4000  }
0x30: {  	[sflag:s11] =	ssyncset.done $0x0  }
0x31: {  	s23 =	simm.s32 $0x180;
	s22 =	simm.s32 $0x400;
	[sflag:s11] =	ssyncadd.s32 $0xFFFFC000  }
.LBB2_3:
0x32: {  	[tilespmem:s15], [sflag:$0x2] =	stream.indirect.gather [hbm4b:s4+s13], $0x80, s23, s13, $0xb8;
	[tilespmem:$0x1E800] =	vst v63  }
0x33: {  	s23 =	smov.u32 s22  }
0x34: {  	p0 =	sne.s32 s22, $0x4800;
	s22 =	sadd.s32 $0x400, s22;
	_ =	swait.ge [sflag:s16], $0x4000  }
0x35: {  	s23 =	sshra.s32 s23, $0x2;
	[sflag:s16] =	ssyncset.done $0x0  }
0x36: {  	s24 =	sadd.s32 $0x1400, s23;
	[sflag:s16] =	ssyncadd.s32 $0xFFFFC000  }
0x37: {  	[spmem:s2] =	stream.indirect.scatter.add.f32 [tilespmem:s14], [sflag:$0x3], $0x80, s24, s13, $0xb8;
	[tilespmem:$0x1E800] =	vst v63  }
0x38: {  	_ =	swait.ge [sflag:s11], $0x4000  }
0x39: {  	[sflag:s11] =	ssyncset.done $0x0  }
0x3a: {  	s24 =	sadd.s32 $0x100, s23;
	[sflag:s11] =	ssyncadd.s32 $0xFFFFC000  }
0x3b: {  	[tilespmem:s14], [sflag:$0x1] =	stream.indirect.gather [hbm4b:s4+s13], $0x80, s24, s13, $0xb8;
	[tilespmem:$0x1E800] =	vst v63  }
0x3c: {  	_ =	swait.ge [sflag:s17], $0x4000  }
0x3d: {  	[sflag:s17] =	ssyncset.done $0x0  }
.Ltmp0:
0x3e: {  	s24 =	sadd.s32 $0x1480, s23;
	[sflag:s17] =	ssyncadd.s32 $0xFFFFC000;
	(pc) =	sbr.rel @p0 .LBB2_3-.Ltmp0, $4  }
0x3f: {  	[spmem:s2] =	stream.indirect.scatter.add.f32 [tilespmem:s15], [sflag:$0x3], $0x80, s24, s13, $0xb8;
	[tilespmem:$0x1E800] =	vst v63  }
0x40: {  	_ =	swait.ge [sflag:s11], $0x4000  }
0x41: {  	[sflag:s11] =	ssyncset.done $0x0  }
0x42: {  	s23 =	sadd.s32 $0x180, s23;
	[sflag:s11] =	ssyncadd.s32 $0xFFFFC000  }
0x43: {  	[tilespmem:s15], [sflag:$0x2] =	stream.indirect.gather [hbm4b:s4+s13], $0x80, s23, s13, $0xb8;
	[tilespmem:$0x1E800] =	vst v63  }
0x44: {  	_ =	swait.ge [sflag:s16], $0x4000  }
0x45: {  	[sflag:s16] =	ssyncset.done $0x0  }
0x46: {  	[sflag:s16] =	ssyncadd.s32 $0xFFFFC000  }
0x47: {  	[spmem:s2] =	stream.indirect.scatter.add.f32 [tilespmem:s14], [sflag:$0x3], $0x80, s18, s13, $0xb8;
	[tilespmem:$0x1E800] =	vst v63  }
0x48: {  	_ =	swait.ge [sflag:s11], $0x4000  }
0x49: {  	[sflag:s11] =	ssyncset.done $0x0  }
0x4a: {  	[sflag:s11] =	ssyncadd.s32 $0xFFFFC000  }
0x4b: {  	s21 =	sadd.s32 $0x1, s21;
	_ =	swait.ge [sflag:s17], $0x4000  }
0x4c: {  	p0 =	sne.s32 s21, $0x4;
	[sflag:s17] =	ssyncset.done $0x0  }
.Ltmp1:
0x4d: {  	[sflag:s17] =	ssyncadd.s32 $0xFFFFC000;
	(pc) =	sbr.rel @p0 .LBB2_2-.Ltmp1, $4  }
0x4e: {  	[spmem:s2] =	stream.indirect.scatter.add.f32 [tilespmem:s15], [sflag:$0x3], $0x80, s19, s13, $0xb8;
	[tilespmem:$0x1E800] =	vst v63  }
0x4f: {  	_ =	swait.ge [sflag:s11], $0x4000  }
0x50: {  	[sflag:s11] =	ssyncset.done $0x0  }
0x51: {  	[sflag:s11] =	ssyncadd.s32 $0xFFFFC000  }
0x52: {  	s3 =	sadd.s32 $0x1, s3  }
0x53: {  	p0 =	sne.s32 s3, s9  }
.Ltmp2:
0x54: {  	[bflag:$0x0] =	sbarrier.arrive $0xFFFF;
	(pc) =	sbr.rel @p0 .LBB2_1-.Ltmp2, $4  }
0x55: {  	[hbm:s20], [sflag:s6] =	dma.local [spmem:s10], $0x2800  }
0x56: {  	_ =	swait.ge [sflag:s11], $0x2800  }
0x57: {  	[sflag:s11] =	ssyncset.done $0x0  }
0x58: {  	[sflag:s11] =	ssyncadd.s32 $0xFFFFD800  }
0x59: {  	_ =	sfence.sel $0x180000  }
0x5a: {  	[bflag:$0x0] =	sbarrier.arrive $0xFFFF  }
0x5b: {  	p0 =	sne.s32 s1, $0x0;
	_ =	strace $0x9000004A  }
0x5c: {  	s0 =	sadd.s32 @!p0 $0x100000, s0;
	[bflag:$0x2] =	sbarrier.arrive $0xFFFF  }
0x5d: {  	[sflag:s0] =	ssyncadd.tile.s32 @!p0 $0x1;
	_ =	shalt  }
.Lfunc_end2:
_tile_overlayer_lowered:
.L_overlay_start_2:
0x5e: {  	(tag) =	ssettag $0x2  }
0x5f: {  	s0 =	rddreg [dreg:$0x0];
	s2 =	stileid.u32  }
0x60: {  	s1 =	rddreg [dreg:$0x1];
	p0 =	sne.s32 s2, $0x0  }
0x61: {  	s3 =	rddreg [dreg:$0x2];
	[bflag:$0x3] =	sbarrier.arrive $0xFFFF;
	s2 =	simm.s32 @!p0 $0x1C03  }
0x62: {  	[timem:s3], [sflag:s2] =	dma.local @!p0 [hbm:s0], s1  }
0x63: {  	s0 =	simm.s32 @!p0 $0x3  }
0x64: {  	_ =	swait.ge @!p0 [sflag:s0], s1  }
0x65: {  	s1 =	ssub.s32 @!p0 $0x0, s1;
	[sflag:s0] =	ssyncset.done @!p0 $0x0  }
0x66: {  	[sflag:s0] =	ssyncadd.s32 @!p0 s1  }
0x67: {  	[bflag:$0x3] =	sbarrier.arrive $0xFFFF  }
0x68: {  	_ =	shalt  }

// kernel: kernel.14.cloned.1.call-start
scs
__scs_entry_jumppad:
0x0: {  	(pc) =	sbr.rel $0x88, $3  }
0x1: {  	(tag) =	ssettag $0x0;
	lr =	simm.s32 $0x1  }
0x2: {  	[smem:$0x3F9B] =	sst lr;
	_ =	strace $0xD0000000  }
0x3: {  	_ = 	snop  }
0x4: {  	_ = 	snop  }
0x5: {  	_ = 	snop  }
0x6: {  	_ = 	snop  }
0x7: {  	_ = 	snop  }
__scs_overlays_trampoline_lowered:
0x8: {  	[smem:$0x3FAA] =	sst s0  }
0x9: {  	[smem:$0x3FAB] =	sst s1  }
0xa: {  	[smem:$0x3FAC] =	sst s2  }
0xb: {  	[smem:$0x3FAD] =	sst s3  }
0xc: {  	[smem:$0x3FAE] =	sst s4  }
0xd: {  	[smem:$0x3FAF] =	sst s5  }
0xe: {  	[smem:$0x3FB0] =	sst s6  }
0xf: {  	[smem:$0x3FB1] =	sst s7  }
0x10: {  	[smem:$0x3FB2] =	sst s8  }
0x11: {  	[smem:$0x3FB3] =	sst s9;
	s0 =	simm.s32 @!p0 $0x0  }
0x12: {  	s1 =	sld [smem:$0x3F99];
	s0 =	simm.s32 @p0 $0x1  }
0x13: {  	[smem:$0x3FB4] =	sst s0;
	s0 =	simm.s32 @!p1 $0x0  }
0x14: {  	s2 =	sld [smem:$0x3F98];
	s0 =	simm.s32 @p1 $0x1  }
0x15: {  	[smem:$0x3FB5] =	sst s0;
	s0 =	simm.s32 @!p2 $0x0  }
0x16: {  	s3 =	sld [smem:$0x3FDB];
	s0 =	simm.s32 @p2 $0x1  }
0x17: {  	s4 =	simm.s32 $0x1BF5;
	[smem:$0x3FB7] =	sst s0  }
0x18: {  	s0 =	sld [smem:$0x3F9A];
	_ =	swait.ge [sflag:s4], $0x0  }
0x19: {  	s7 =	sld [smem:$0x3F9B]  }
0x1a: {  	s8 =	sadd.s32 $0xFFFFE003, lr  }
0x1b: {  	s9 =	sadd.s32 $0xFFFFFEF7, lr;
	s5 =	simm.s32 $0xFFFFFFFF;
	p2 =	slt.u32 s8, $0xFFFFF086  }
0x1c: {  	p1 =	slt.u32 s9, $0xF7A;
	s5 =	simm.s32 @!p2 $0x0  }
0x1d: {  	s5 =	simm.s32 @p1 $0x1;
	p0 =	seq.s32 s7, s2  }
0x1e: {  	s7 =	smul.u32 @!p0 $0xF7A, s2;
	p2 =	seq.s32 @!p0 s5, $0x0  }
0x1f: {  	s9 =	smul.u32 $0xF7A, s1;
	s8 =	simm.s32 @!p0 $0x1BF5;
	p2 =	por !p2, p0  }
0x20: {  	[sflag:s8] =	ssyncset.s32 @!p0 $0xFFFFF086;
	s6 =	sadd.s32 @!p0 s3, s7;
	s7 =	simm.s32 @!p0 $0x108  }
0x21: {  	s3 =	sadd.s32 s3, s9;
	s6 =	sadd.s32 @!p0 $0x88, s6;
	s7 =	simm.s32 @p2 $0x1082  }
0x22: {  	[simem:s7], [sflag:s8] =	dma.local @!p0 [hbm:s6], $0xF7A  }
0x23: {  	s9 =	sor.u32 $0xD0000000, s2;
	s6 =	simm.s32 $0x108;
	_ =	swait.ge @!p0 [sflag:s8], $0x0  }
0x24: {  	s3 =	sadd.s32 $0x88, s3;
	s6 =	simm.s32 @!p1 $0x1082;
	[sflag:s4] =	ssyncset.s32 $0xFFFFF086  }
0x25: {  	[simem:s6], [sflag:s4] =	dma.local [hbm:s3], $0xF7A  }
0x26: {  	[smem:$0x3F9B] =	sst s1;
	(tag) =	ssettag s2;
	_ =	strace s9  }
0x27: {  	s1 =	sld [smem:$0x3FAB]  }
0x28: {  	s2 =	sld [smem:$0x3FAC]  }
0x29: {  	s4 =	sld [smem:$0x3FAE]  }
0x2a: {  	p0 =	seq.s32 s5, $0x0;
	s5 =	sld [smem:$0x3FAF]  }
0x2b: {  	s6 =	sld [smem:$0x3FB0]  }
0x2c: {  	s7 =	sld [smem:$0x3FB1]  }
0x2d: {  	s3 =	simm.s32 $0x108;
	s8 =	sld [smem:$0x3FB2]  }
0x2e: {  	s3 =	simm.s32 @!p0 $0x1082;
	s9 =	sld [smem:$0x3FB3]  }
0x2f: {  	lr =	sadd.s32 s0, s3;
	s0 =	sld [smem:$0x3FAA]  }
0x30: {  	s3 =	sld [smem:$0x3FAD]  }
0x31: {  	[smem:$0x3FB6] =	sst s10  }
0x32: {  	s10 =	sld [smem:$0x3FB4];
	_ =	sdelay $0x3  }
0x33: {  	p0 =	seq.s32 s10, $0x1;
	s10 =	sld [smem:$0x3FB6];
	_ =	sdelay $0x3  }
0x34: {  	[smem:$0x3FB6] =	sst s10  }
0x35: {  	s10 =	sld [smem:$0x3FB5];
	_ =	sdelay $0x3  }
0x36: {  	p1 =	seq.s32 s10, $0x1;
	s10 =	sld [smem:$0x3FB6];
	_ =	sdelay $0x3  }
0x37: {  	[smem:$0x3FB6] =	sst s10  }
0x38: {  	s10 =	sld [smem:$0x3FB7]  }
0x39: {  	_ = 	snop;
	(pc) =	sbr.ind lr, $3  }
0x3a: {  	_ = 	snop  }
0x3b: {  	_ = 	snop  }
0x3c: {  	p2 =	seq.s32 s10, $0x1;
	s10 =	sld [smem:$0x3FB6]  }
0x3d: {  	_ =	shalt  }
0x3e: {  	_ =	shalt  }
0x3f: {  	_ =	shalt  }
0x40: {  	_ =	shalt  }
0x41: {  	_ =	shalt  }
0x42: {  	_ =	shalt  }
0x43: {  	_ =	shalt  }
0x44: {  	_ =	shalt  }
0x45: {  	_ =	shalt  }
0x46: {  	_ =	shalt  }
0x47: {  	_ =	shalt  }
0x48: {  	_ =	shalt  }
0x49: {  	_ =	shalt  }
0x4a: {  	_ =	shalt  }
0x4b: {  	_ =	shalt  }
0x4c: {  	_ =	shalt  }
0x4d: {  	_ =	shalt  }
0x4e: {  	_ =	shalt  }
0x4f: {  	_ =	shalt  }
0x50: {  	_ =	shalt  }
0x51: {  	_ =	shalt  }
0x52: {  	_ =	shalt  }
0x53: {  	_ =	shalt  }
0x54: {  	_ =	shalt  }
0x55: {  	_ =	shalt  }
0x56: {  	_ =	shalt  }
0x57: {  	_ =	shalt  }
0x58: {  	_ =	shalt  }
0x59: {  	_ =	shalt  }
0x5a: {  	_ =	shalt  }
0x5b: {  	_ =	shalt  }
0x5c: {  	_ =	shalt  }
0x5d: {  	_ =	shalt  }
0x5e: {  	_ =	shalt  }
0x5f: {  	_ =	shalt  }
0x60: {  	_ =	shalt  }
0x61: {  	_ =	shalt  }
0x62: {  	_ =	shalt  }
0x63: {  	_ =	shalt  }
0x64: {  	_ =	shalt  }
0x65: {  	_ =	shalt  }
0x66: {  	_ =	shalt  }
0x67: {  	_ =	shalt  }
0x68: {  	_ =	shalt  }
0x69: {  	_ =	shalt  }
0x6a: {  	_ =	shalt  }
0x6b: {  	_ =	shalt  }
0x6c: {  	_ =	shalt  }
0x6d: {  	_ =	shalt  }
0x6e: {  	_ =	shalt  }
0x6f: {  	_ =	shalt  }
0x70: {  	_ =	shalt  }
0x71: {  	_ =	shalt  }
0x72: {  	_ =	shalt  }
0x73: {  	_ =	shalt  }
0x74: {  	_ =	shalt  }
0x75: {  	_ =	shalt  }
0x76: {  	_ =	shalt  }
0x77: {  	_ =	shalt  }
0x78: {  	_ =	shalt  }
0x79: {  	_ =	shalt  }
0x7a: {  	_ =	shalt  }
0x7b: {  	_ =	shalt  }
0x7c: {  	_ =	shalt  }
0x7d: {  	_ =	shalt  }
0x7e: {  	_ =	shalt  }
0x7f: {  	_ =	shalt  }
0x80: {  	_ =	shalt  }
0x81: {  	_ =	shalt  }
0x82: {  	_ =	shalt  }
0x83: {  	_ =	shalt  }
0x84: {  	_ =	shalt  }
0x85: {  	_ =	shalt  }
0x86: {  	_ =	shalt  }
0x87: {  	_ =	shalt  }
.Lfunc_end0:
.L_simem_size_0:
called_computation.2_lowered:
.L_overlay_start_0:
0x88: {  	s2 =	sld [smem:$0x3FD9]  }
0x89: {  	s3 =	sld [smem:$0x3FFE];
	_ =	sdelay $0x1  }
0x8a: {  	s1 =	srdreg.scid  }
0x8b: {  	s0 =	sand.u32 $0x1, s1  }
0x8c: {  	s17 =	sshll.u32 s0, $0xA;
	s2 =	sadd.s32 s3, s2  }
0x8d: {  	s2 =	sadd.s32 s2, s17  }
0x8e: {  	[smem:$0x3FC2] =	sst s2  }
0x8f: {  	_ = 	snop  }
0x90: {  	s2 =	sld [smem:$0x3FD0];
	(tm) =	ssettm $0x1  }
0x91: {  	s18 =	sld [smem:$0x3FFB];
	_ =	sdelay $0x3  }
0x92: {  	_ =	strace s18  }
0x93: {  	s3 =	sld [smem:$0x3FFC];
	_ =	sdelay $0x3  }
0x94: {  	_ =	strace s3  }
0x95: {  	s3 =	sld [smem:$0x3FFD];
	_ =	sdelay $0x3  }
0x96: {  	_ =	strace s3  }
0x97: {  	_ =	strace $0x8FFFFFFF  }
0x98: {  	s19 =	sld [smem:$0x3FDB];
	_ =	sdelay $0x1  }
0x99: {  	s4 =	simm.s32 $_scs_section_size  }
0x9a: {  	s5 =	simm.s32 $_size__tile_overlayer_lowered;
	s6 =	simm.s32 $_tile_overlayer_lowered  }
0x9b: {  	s22 =	simm.s32 $0x1BFF;
	s21 =	sshll.u32 s6, $0x1;
	s3 =	sadd.s32 s4, s19  }
0x9c: {  	s7 =	simm.s32 $0x0;
	s20 =	sshll.u32 s5, $0x1;
	s5 =	sadd.s32 s21, s3  }
0x9d: {  	[timem:s7], [sflag:s22] =	dma.local [hbm:s5], s20  }
0x9e: {  	_ =	swait.ge [sflag:s22], s20  }
0x9f: {  	s4 =	ssub.s32 $0x0, s20;
	[sflag:s22] =	ssyncset.done $0x0  }
0xa0: {  	[sflag:s22] =	ssyncadd.s32 s4;
	_ =	sdelay $0x1  }
0xa1: {  	s23 =	simm.s32 $0x1B8B  }
0xa2: {  	_ =	swait.ge [sflag:s23], $0x1  }
0xa3: {  	[sflag:s23] =	ssyncset.done $0x0  }
0xa4: {  	s25 =	simm.s32 $0x1B8E;
	s24 =	sld [smem:$0x3FFE];
	[sflag:s23] =	ssyncadd.s32 $0xFFFFFFFF  }
0xa5: {  	s26 =	simm.s32 $execute0_lowered;
	[smem:$0x3FD2] =	sst s25  }
0xa6: {  	s5 =	sshll.u32 s26, $0x1;
	_ =	strace $0x8000004C;
	[dreg:$0x1] =	wrdreg $0xFFFFFFFF  }
0xa7: {  	s28 =	simm.s32 $_size_execute0_lowered;
	s3 =	sadd.s32 s3, s5;
	[dreg:$0x0] =	wrdreg $0x0  }
0xa8: {  	s5 =	sshll.u32 s28, $0x1;
	[dreg:$0x2] =	wrdreg s3  }
0xa9: {  	[dreg:$0x3] =	wrdreg s5  }
0xaa: {  	[dreg:$0x4] =	wrdreg $0xC0  }
0xab: {  	_ =	task [dreg:s7], $0x5FFFF  }
0xac: {  	[dreg:$0x1] =	wrdreg $0xFFFFFFFF  }
0xad: {  	[dreg:$0x0] =	wrdreg $0x60  }
0xae: {  	[dreg:$0x2] =	wrdreg s2  }
0xaf: {  	[dreg:$0x3] =	wrdreg s24  }
0xb0: {  	[dreg:$0x4] =	wrdreg $0xA8000  }
0xb1: {  	[dreg:$0x5] =	wrdreg $0x9  }
0xb2: {  	_ =	task.clear_ibuf [dreg:s7], $0x6FFFF;
	_ =	strace $0x9000004C  }
0xb3: {  	s29 =	simm.s32 $0x9;
	_ =	strace $0x8000004E  }
0xb4: {  	_ =	swait.ge [sflag:s29], $0x1  }
0xb5: {  	[sflag:s29] =	ssyncadd.s32 $0xFFFFFFFF  }
0xb6: {  	_ =	strace $0x9000004E  }
0xb7: {  	_ =	sfence  }
0xb8: {  	s30 =	sld [smem:$0x0];
	_ =	sdelay $0x2  }
0xb9: {  	s31 =	sshll.u32 s1, $0xD;
	s1 =	sshrl.u32 s1, $0x2  }
0xba: {  	s3 =	sand.u32 $0x4000, s31;
	s1 =	sadd.s32 s1, s30  }
0xbb: {  	s0 =	sor.u32 s3, s0;
	s1 =	sshll.u32 s1, $0x11  }
0xbc: {  	s0 =	sor.u32 s1, s0  }
0xbd: {  	s0 =	sadd.s32 $0x8F2B, s0  }
0xbe: {  	[sflag:s0] =	ssyncadd.remote.s32 $0x1  }
0xbf: {  	_ =	sfence.sel $0xFFFF  }
0xc0: {  	[dreg:$0x0] =	wrdreg $0xFFFFFFFF;
	(pc) =	sbr.abs _section_cstart, $3  }
0xc1: {  	[dreg:$0x1] =	wrdreg $0xFFFFFFFF  }
0xc2: {  	_ =	task.clear_ibuf [dreg:s7], $0x2FFFF;
	_ =	strace $0x9FFFFFFF  }
0xc3: {  	(tm) =	ssettm $0x7FFFFFFF  }
tec
execute0_lowered:
.L_overlay_start_1:
0x0: {  	(tag) =	ssettag $0x1  }
0x1: {  	s7 =	rddreg [dreg:$0x0]  }
0x2: {  	s4 =	rddreg [dreg:$0x1]  }
0x3: {  	s2 =	rddreg [dreg:$0x2]  }
0x4: {  	s0 =	rddreg [dreg:$0x3]  }
0x5: {  	s3 =	simm.s32 $0x0;
	s1 =	stileid.u32;
	s5 =	srdreg.scid  }
0x6: {  	s17 =	simm.s32 $0x1400;
	s18 =	simm.s32 $0x80;
	s19 =	simm.s32 $0x2800  }
0x7: {  	s20 =	simm.s32 $0x6800;
	s21 =	simm.s32 $0x1;
	s8 =	smul.u32 $0xA00, s1  }
0x8: {  	s22 =	simm.s32 $0x2;
	[smem:$0x7FF] =	sst s3;
	s12 =	smul.u32 $0x50000, s1  }
0x9: {  	s9 =	sand.u32 $0x1, s5;
	s23 =	smul.u32 $0x2800, s1;
	s31 =	sshll.u32 s1, $0x6  }
0xa: {  	_ =	strace $0x8000004D;
	s5 =	smul.u32 $0x28000, s9;
	s6 =	ssub.s32 $0x2, s9  }
0xb: {  	s9 =	sshll.u32 s9, $0x7;
	s10 =	sadd.s32 s8, s4;
	s11 =	sshrl.u32 s6, $0x1  }
0xc: {  	s30 =	sshrl.u32 s12, $0x2;
	s7 =	sadd.s32 s7, s8;
	s12 =	sor.u32 $0x2600, s9  }
0xd: {  	s13 =	sor.u32 $0x2700, s9;
	s14 =	sadd.s32 s5, s4;
	s15 =	ssub.s32 s6, s11  }
0xe: {  	s16 =	sadd.s32 s30, s2;
	s6 =	sor.u32 $0x1C03, s31;
	s8 =	sadd.s32 $0x2400, s10  }
0xf: {  	s10 =	sor.u32 $0x100, s9;
	s11 =	sor.u32 $0x1400, s9;
	s4 =	sadd.s32 $0x20A00, s14  }
0x10: {  	s24 =	sadd.s32 $0x70A00, s14;
	s14 =	smax.u32 s15, $0x1;
	s15 =	sshrl.u32 s16, $0x3  }
0x11: {  	s16 =	simm.s32 $0x3;
	s5 =	sadd.s32 s23, s4;
	s23 =	sadd.s32 s23, s24  }
.LBB2_1:
0x12: {  	[spmem:s15], [sflag:s6] =	dma.local [hbm:s5], $0x2800  }
0x13: {  	_ =	swait.ge [sflag:s16], $0x2800  }
0x14: {  	[sflag:s16] =	ssyncset.done $0x0  }
0x15: {  	[sflag:s16] =	ssyncadd.s32 $0xFFFFD800  }
0x16: {  	s24 =	simm.s32 $0x0;
	[bflag:$0x0] =	sbarrier.arrive $0xFFFF  }
.LBB2_2:
0x17: {  	s25 =	smul.u32 $0x280, s24;
	_ =	sdelay $0x1  }
0x18: {  	s28 =	simm.s32 $0x0;
	s26 =	sadd.s32 s25, s7  }
0x19: {  	[tilespmem:s28], [sflag:$0x3] =	stream.linear.gather [hbm4b:s26+s28], $0x1400, $0x38;
	[tilespmem:$0x1E800] =	vst v63  }
0x1a: {  	_ =	swait.ge [sflag:s16], $0x1400  }
0x1b: {  	[sflag:s16] =	ssyncset.done $0x0  }
0x1c: {  	s25 =	sadd.s32 s25, s8;
	[sflag:s16] =	ssyncadd.s32 $0xFFFFEC00  }
0x1d: {  	[tilespmem:s17], [sflag:$0x3] =	stream.linear.gather [hbm4b:s25+s28], $0x1400, $0x38;
	[tilespmem:$0x1E800] =	vst v63  }
0x1e: {  	_ =	swait.ge [sflag:s16], $0x1400  }
0x1f: {  	[sflag:s16] =	ssyncset.done $0x0  }
0x20: {  	[sflag:s16] =	ssyncadd.s32 $0xFFFFEC00  }
0x21: {  	[tilespmem:s19], [sflag:$0x1] =	stream.indirect.gather [hbm4b:s4+s18], $0x80, s9, s18, $0xb8;
	[tilespmem:$0x1E800] =	vst v63  }
0x22: {  	_ = 	snop  }
0x23: {  	[tilespmem:s20], [sflag:$0x2] =	stream.indirect.gather [hbm4b:s4+s18], $0x80, s10, s18, $0xb8;
	[tilespmem:$0x1E800] =	vst v63  }
0x24: {  	_ =	swait.ge [sflag:s21], $0x4000  }
0x25: {  	[sflag:s21] =	ssyncset.done $0x0  }
0x26: {  	s29 =	sadd.s32 $0x0, s11;
	[sflag:s21] =	ssyncadd.s32 $0xFFFFC000  }
0x27: {  	[spmem:s2] =	stream.indirect.scatter.add.f32 [tilespmem:s19], [sflag:$0x3], $0x80, s29, s18, $0xb8;
	[tilespmem:$0x1E800] =	vst v63  }
0x28: {  	_ =	swait.ge [sflag:s16], $0x4000  }
0x29: {  	s30 =	sadd.s32 $0x0, s9;
	[sflag:s16] =	ssyncset.done $0x0  }
0x2a: {  	s31 =	sadd.s32 $0x200, s30;
	[sflag:s16] =	ssyncadd.s32 $0xFFFFC000  }
0x2b: {  	[tilespmem:s19], [sflag:$0x1] =	stream.indirect.gather [hbm4b:s4+s18], $0x80, s31, s18, $0xb8;
	[tilespmem:$0x1E800] =	vst v63  }
0x2c: {  	_ =	swait.ge [sflag:s22], $0x4000  }
0x2d: {  	[sflag:s22] =	ssyncset.done $0x0  }
0x2e: {  	s25 =	sadd.s32 $0x100, s29;
	[sflag:s22] =	ssyncadd.s32 $0xFFFFC000  }
0x2f: {  	[spmem:s2] =	stream.indirect.scatter.add.f32 [tilespmem:s20], [sflag:$0x3], $0x80, s25, s18, $0xb8;
	[tilespmem:$0x1E800] =	vst v63  }
0x30: {  	_ =	swait.ge [sflag:s16], $0x4000  }
0x31: {  	[sflag:s16] =	ssyncset.done $0x0  }
0x32: {  	s26 =	sadd.s32 $0x300, s30;
	s25 =	simm.s32 $0x800;
	[sflag:s16] =	ssyncadd.s32 $0xFFFFC000  }
.LBB2_3:
0x33: {  	[tilespmem:s20], [sflag:$0x2] =	stream.indirect.gather [hbm4b:s4+s18], $0x80, s26, s18, $0xb8;
	[tilespmem:$0x1E800] =	vst v63  }
0x34: {  	s26 =	smov.u32 s25  }
0x35: {  	p0 =	sne.s32 s25, $0x4000;
	s25 =	sadd.s32 $0x800, s25;
	_ =	swait.ge [sflag:s21], $0x4000  }
0x36: {  	s26 =	sshra.s32 s26, $0x2;
	[sflag:s21] =	ssyncset.done $0x0  }
0x37: {  	s28 =	sadd.s32 s26, s11;
	s26 =	sadd.s32 s26, s9;
	[sflag:s21] =	ssyncadd.s32 $0xFFFFC000  }
0x38: {  	[spmem:s2] =	stream.indirect.scatter.add.f32 [tilespmem:s19], [sflag:$0x3], $0x80, s28, s18, $0xb8;
	[tilespmem:$0x1E800] =	vst v63  }
0x39: {  	_ =	swait.ge [sflag:s16], $0x4000  }
0x3a: {  	[sflag:s16] =	ssyncset.done $0x0  }
0x3b: {  	s29 =	sadd.s32 $0x200, s26;
	[sflag:s16] =	ssyncadd.s32 $0xFFFFC000  }
0x3c: {  	[tilespmem:s19], [sflag:$0x1] =	stream.indirect.gather [hbm4b:s4+s18], $0x80, s29, s18, $0xb8;
	[tilespmem:$0x1E800] =	vst v63  }
0x3d: {  	_ =	swait.ge [sflag:s22], $0x4000  }
0x3e: {  	[sflag:s22] =	ssyncset.done $0x0  }
.Ltmp0:
0x3f: {  	s28 =	sadd.s32 $0x100, s28;
	[sflag:s22] =	ssyncadd.s32 $0xFFFFC000;
	(pc) =	sbr.rel @p0 .LBB2_3-.Ltmp0, $4  }
0x40: {  	[spmem:s2] =	stream.indirect.scatter.add.f32 [tilespmem:s20], [sflag:$0x3], $0x80, s28, s18, $0xb8;
	[tilespmem:$0x1E800] =	vst v63  }
0x41: {  	_ =	swait.ge [sflag:s16], $0x4000  }
0x42: {  	[sflag:s16] =	ssyncset.done $0x0  }
0x43: {  	s26 =	sadd.s32 $0x300, s26;
	[sflag:s16] =	ssyncadd.s32 $0xFFFFC000  }
0x44: {  	[tilespmem:s20], [sflag:$0x2] =	stream.indirect.gather [hbm4b:s4+s18], $0x80, s26, s18, $0xb8;
	[tilespmem:$0x1E800] =	vst v63  }
0x45: {  	_ =	swait.ge [sflag:s21], $0x4000  }
0x46: {  	[sflag:s21] =	ssyncset.done $0x0  }
0x47: {  	[sflag:s21] =	ssyncadd.s32 $0xFFFFC000  }
0x48: {  	[spmem:s2] =	stream.indirect.scatter.add.f32 [tilespmem:s19], [sflag:$0x3], $0x80, s12, s18, $0xb8;
	[tilespmem:$0x1E800] =	vst v63  }
0x49: {  	_ =	swait.ge [sflag:s16], $0x4000  }
0x4a: {  	[sflag:s16] =	ssyncset.done $0x0  }
0x4b: {  	[sflag:s16] =	ssyncadd.s32 $0xFFFFC000  }
0x4c: {  	s24 =	sadd.s32 $0x1, s24;
	_ =	swait.ge [sflag:s22], $0x4000  }
0x4d: {  	p0 =	sne.s32 s24, $0x4;
	[sflag:s22] =	ssyncset.done $0x0  }
.Ltmp1:
0x4e: {  	[sflag:s22] =	ssyncadd.s32 $0xFFFFC000;
	(pc) =	sbr.rel @p0 .LBB2_2-.Ltmp1, $4  }
0x4f: {  	[spmem:s2] =	stream.indirect.scatter.add.f32 [tilespmem:s20], [sflag:$0x3], $0x80, s13, s18, $0xb8;
	[tilespmem:$0x1E800] =	vst v63  }
0x50: {  	_ =	swait.ge [sflag:s16], $0x4000  }
0x51: {  	[sflag:s16] =	ssyncset.done $0x0  }
0x52: {  	[sflag:s16] =	ssyncadd.s32 $0xFFFFC000  }
0x53: {  	s3 =	sadd.s32 $0x1, s3  }
0x54: {  	p0 =	sne.s32 s3, s14  }
.Ltmp2:
0x55: {  	[bflag:$0x0] =	sbarrier.arrive $0xFFFF;
	(pc) =	sbr.rel @p0 .LBB2_1-.Ltmp2, $4  }
0x56: {  	[hbm:s23], [sflag:s6] =	dma.local [spmem:s15], $0x2800  }
0x57: {  	_ =	swait.ge [sflag:s16], $0x2800  }
0x58: {  	[sflag:s16] =	ssyncset.done $0x0  }
0x59: {  	[sflag:s16] =	ssyncadd.s32 $0xFFFFD800  }
0x5a: {  	_ =	sfence.sel $0x180000  }
0x5b: {  	[bflag:$0x0] =	sbarrier.arrive $0xFFFF  }
0x5c: {  	p0 =	sne.s32 s1, $0x0;
	_ =	strace $0x9000004D  }
0x5d: {  	s0 =	sadd.s32 @!p0 $0x100000, s0;
	[bflag:$0x2] =	sbarrier.arrive $0xFFFF  }
0x5e: {  	[sflag:s0] =	ssyncadd.tile.s32 @!p0 $0x1;
	_ =	shalt  }
.Lfunc_end2:
_tile_overlayer_lowered:
.L_overlay_start_2:
0x5f: {  	(tag) =	ssettag $0x2  }
0x60: {  	s0 =	rddreg [dreg:$0x0];
	s2 =	stileid.u32  }
0x61: {  	s1 =	rddreg [dreg:$0x1];
	p0 =	sne.s32 s2, $0x0  }
0x62: {  	s3 =	rddreg [dreg:$0x2];
	[bflag:$0x3] =	sbarrier.arrive $0xFFFF;
	s2 =	simm.s32 @!p0 $0x1C03  }
0x63: {  	[timem:s3], [sflag:s2] =	dma.local @!p0 [hbm:s0], s1  }
0x64: {  	s0 =	simm.s32 @!p0 $0x3  }
0x65: {  	_ =	swait.ge @!p0 [sflag:s0], s1  }
0x66: {  	s1 =	ssub.s32 @!p0 $0x0, s1;
	[sflag:s0] =	ssyncset.done @!p0 $0x0  }
0x67: {  	[sflag:s0] =	ssyncadd.s32 @!p0 s1  }
0x68: {  	[bflag:$0x3] =	sbarrier.arrive $0xFFFF  }
0x69: {  	_ =	shalt  }

// kernel: kernel.8.cloned.1.call-start
scs
__scs_entry_jumppad:
0x0: {  	(pc) =	sbr.rel $0x88, $3  }
0x1: {  	(tag) =	ssettag $0x0;
	lr =	simm.s32 $0x1  }
0x2: {  	[smem:$0x3F9B] =	sst lr;
	_ =	strace $0xD0000000  }
0x3: {  	_ = 	snop  }
0x4: {  	_ = 	snop  }
0x5: {  	_ = 	snop  }
0x6: {  	_ = 	snop  }
0x7: {  	_ = 	snop  }
__scs_overlays_trampoline_lowered:
0x8: {  	[smem:$0x3FAA] =	sst s0  }
0x9: {  	[smem:$0x3FAB] =	sst s1  }
0xa: {  	[smem:$0x3FAC] =	sst s2  }
0xb: {  	[smem:$0x3FAD] =	sst s3  }
0xc: {  	[smem:$0x3FAE] =	sst s4  }
0xd: {  	[smem:$0x3FAF] =	sst s5  }
0xe: {  	[smem:$0x3FB0] =	sst s6  }
0xf: {  	[smem:$0x3FB1] =	sst s7  }
0x10: {  	[smem:$0x3FB2] =	sst s8  }
0x11: {  	[smem:$0x3FB3] =	sst s9;
	s0 =	simm.s32 @!p0 $0x0  }
0x12: {  	s1 =	sld [smem:$0x3F99];
	s0 =	simm.s32 @p0 $0x1  }
0x13: {  	[smem:$0x3FB4] =	sst s0;
	s0 =	simm.s32 @!p1 $0x0  }
0x14: {  	s2 =	sld [smem:$0x3F98];
	s0 =	simm.s32 @p1 $0x1  }
0x15: {  	[smem:$0x3FB5] =	sst s0;
	s0 =	simm.s32 @!p2 $0x0  }
0x16: {  	s3 =	sld [smem:$0x3FDB];
	s0 =	simm.s32 @p2 $0x1  }
0x17: {  	s4 =	simm.s32 $0x1BF5;
	[smem:$0x3FB7] =	sst s0  }
0x18: {  	s0 =	sld [smem:$0x3F9A];
	_ =	swait.ge [sflag:s4], $0x0  }
0x19: {  	s7 =	sld [smem:$0x3F9B]  }
0x1a: {  	s8 =	sadd.s32 $0xFFFFE003, lr  }
0x1b: {  	s9 =	sadd.s32 $0xFFFFFEF7, lr;
	s5 =	simm.s32 $0xFFFFFFFF;
	p2 =	slt.u32 s8, $0xFFFFF086  }
0x1c: {  	p1 =	slt.u32 s9, $0xF7A;
	s5 =	simm.s32 @!p2 $0x0  }
0x1d: {  	s5 =	simm.s32 @p1 $0x1;
	p0 =	seq.s32 s7, s2  }
0x1e: {  	s7 =	smul.u32 @!p0 $0xF7A, s2;
	p2 =	seq.s32 @!p0 s5, $0x0  }
0x1f: {  	s9 =	smul.u32 $0xF7A, s1;
	s8 =	simm.s32 @!p0 $0x1BF5;
	p2 =	por !p2, p0  }
0x20: {  	[sflag:s8] =	ssyncset.s32 @!p0 $0xFFFFF086;
	s6 =	sadd.s32 @!p0 s3, s7;
	s7 =	simm.s32 @!p0 $0x108  }
0x21: {  	s3 =	sadd.s32 s3, s9;
	s6 =	sadd.s32 @!p0 $0x88, s6;
	s7 =	simm.s32 @p2 $0x1082  }
0x22: {  	[simem:s7], [sflag:s8] =	dma.local @!p0 [hbm:s6], $0xF7A  }
0x23: {  	s9 =	sor.u32 $0xD0000000, s2;
	s6 =	simm.s32 $0x108;
	_ =	swait.ge @!p0 [sflag:s8], $0x0  }
0x24: {  	s3 =	sadd.s32 $0x88, s3;
	s6 =	simm.s32 @!p1 $0x1082;
	[sflag:s4] =	ssyncset.s32 $0xFFFFF086  }
0x25: {  	[simem:s6], [sflag:s4] =	dma.local [hbm:s3], $0xF7A  }
0x26: {  	[smem:$0x3F9B] =	sst s1;
	(tag) =	ssettag s2;
	_ =	strace s9  }
0x27: {  	s1 =	sld [smem:$0x3FAB]  }
0x28: {  	s2 =	sld [smem:$0x3FAC]  }
0x29: {  	s4 =	sld [smem:$0x3FAE]  }
0x2a: {  	p0 =	seq.s32 s5, $0x0;
	s5 =	sld [smem:$0x3FAF]  }
0x2b: {  	s6 =	sld [smem:$0x3FB0]  }
0x2c: {  	s7 =	sld [smem:$0x3FB1]  }
0x2d: {  	s3 =	simm.s32 $0x108;
	s8 =	sld [smem:$0x3FB2]  }
0x2e: {  	s3 =	simm.s32 @!p0 $0x1082;
	s9 =	sld [smem:$0x3FB3]  }
0x2f: {  	lr =	sadd.s32 s0, s3;
	s0 =	sld [smem:$0x3FAA]  }
0x30: {  	s3 =	sld [smem:$0x3FAD]  }
0x31: {  	[smem:$0x3FB6] =	sst s10  }
0x32: {  	s10 =	sld [smem:$0x3FB4];
	_ =	sdelay $0x3  }
0x33: {  	p0 =	seq.s32 s10, $0x1;
	s10 =	sld [smem:$0x3FB6];
	_ =	sdelay $0x3  }
0x34: {  	[smem:$0x3FB6] =	sst s10  }
0x35: {  	s10 =	sld [smem:$0x3FB5];
	_ =	sdelay $0x3  }
0x36: {  	p1 =	seq.s32 s10, $0x1;
	s10 =	sld [smem:$0x3FB6];
	_ =	sdelay $0x3  }
0x37: {  	[smem:$0x3FB6] =	sst s10  }
0x38: {  	s10 =	sld [smem:$0x3FB7]  }
0x39: {  	_ = 	snop;
	(pc) =	sbr.ind lr, $3  }
0x3a: {  	_ = 	snop  }
0x3b: {  	_ = 	snop  }
0x3c: {  	p2 =	seq.s32 s10, $0x1;
	s10 =	sld [smem:$0x3FB6]  }
0x3d: {  	_ =	shalt  }
0x3e: {  	_ =	shalt  }
0x3f: {  	_ =	shalt  }
0x40: {  	_ =	shalt  }
0x41: {  	_ =	shalt  }
0x42: {  	_ =	shalt  }
0x43: {  	_ =	shalt  }
0x44: {  	_ =	shalt  }
0x45: {  	_ =	shalt  }
0x46: {  	_ =	shalt  }
0x47: {  	_ =	shalt  }
0x48: {  	_ =	shalt  }
0x49: {  	_ =	shalt  }
0x4a: {  	_ =	shalt  }
0x4b: {  	_ =	shalt  }
0x4c: {  	_ =	shalt  }
0x4d: {  	_ =	shalt  }
0x4e: {  	_ =	shalt  }
0x4f: {  	_ =	shalt  }
0x50: {  	_ =	shalt  }
0x51: {  	_ =	shalt  }
0x52: {  	_ =	shalt  }
0x53: {  	_ =	shalt  }
0x54: {  	_ =	shalt  }
0x55: {  	_ =	shalt  }
0x56: {  	_ =	shalt  }
0x57: {  	_ =	shalt  }
0x58: {  	_ =	shalt  }
0x59: {  	_ =	shalt  }
0x5a: {  	_ =	shalt  }
0x5b: {  	_ =	shalt  }
0x5c: {  	_ =	shalt  }
0x5d: {  	_ =	shalt  }
0x5e: {  	_ =	shalt  }
0x5f: {  	_ =	shalt  }
0x60: {  	_ =	shalt  }
0x61: {  	_ =	shalt  }
0x62: {  	_ =	shalt  }
0x63: {  	_ =	shalt  }
0x64: {  	_ =	shalt  }
0x65: {  	_ =	shalt  }
0x66: {  	_ =	shalt  }
0x67: {  	_ =	shalt  }
0x68: {  	_ =	shalt  }
0x69: {  	_ =	shalt  }
0x6a: {  	_ =	shalt  }
0x6b: {  	_ =	shalt  }
0x6c: {  	_ =	shalt  }
0x6d: {  	_ =	shalt  }
0x6e: {  	_ =	shalt  }
0x6f: {  	_ =	shalt  }
0x70: {  	_ =	shalt  }
0x71: {  	_ =	shalt  }
0x72: {  	_ =	shalt  }
0x73: {  	_ =	shalt  }
0x74: {  	_ =	shalt  }
0x75: {  	_ =	shalt  }
0x76: {  	_ =	shalt  }
0x77: {  	_ =	shalt  }
0x78: {  	_ =	shalt  }
0x79: {  	_ =	shalt  }
0x7a: {  	_ =	shalt  }
0x7b: {  	_ =	shalt  }
0x7c: {  	_ =	shalt  }
0x7d: {  	_ =	shalt  }
0x7e: {  	_ =	shalt  }
0x7f: {  	_ =	shalt  }
0x80: {  	_ =	shalt  }
0x81: {  	_ =	shalt  }
0x82: {  	_ =	shalt  }
0x83: {  	_ =	shalt  }
0x84: {  	_ =	shalt  }
0x85: {  	_ =	shalt  }
0x86: {  	_ =	shalt  }
0x87: {  	_ =	shalt  }
.Lfunc_end0:
.L_simem_size_0:
called_computation_lowered:
.L_overlay_start_0:
0x88: {  	s2 =	sld [smem:$0x3FD9]  }
0x89: {  	s3 =	sld [smem:$0x3FFE];
	_ =	sdelay $0x1  }
0x8a: {  	s1 =	srdreg.scid  }
0x8b: {  	s0 =	sand.u32 $0x1, s1  }
0x8c: {  	s16 =	sshll.u32 s0, $0xA;
	s2 =	sadd.s32 s3, s2  }
0x8d: {  	s2 =	sadd.s32 s2, s16  }
0x8e: {  	[smem:$0x3FC2] =	sst s2  }
0x8f: {  	_ = 	snop  }
0x90: {  	(tm) =	ssettm $0x1  }
0x91: {  	s17 =	sld [smem:$0x3FFB];
	_ =	sdelay $0x3  }
0x92: {  	_ =	strace s17  }
0x93: {  	s2 =	sld [smem:$0x3FFC];
	_ =	sdelay $0x3  }
0x94: {  	_ =	strace s2  }
0x95: {  	s2 =	sld [smem:$0x3FFD];
	_ =	sdelay $0x3  }
0x96: {  	_ =	strace s2  }
0x97: {  	_ =	strace $0x8FFFFFFF  }
0x98: {  	s18 =	sld [smem:$0x3FDB];
	_ =	sdelay $0x1  }
0x99: {  	s19 =	simm.s32 $_scs_section_size  }
0x9a: {  	s4 =	simm.s32 $_size__tile_overlayer_lowered;
	s5 =	simm.s32 $_tile_overlayer_lowered  }
0x9b: {  	s22 =	simm.s32 $0x1BFF;
	s21 =	sshll.u32 s5, $0x1;
	s2 =	sadd.s32 s19, s18  }
0x9c: {  	s6 =	simm.s32 $0x0;
	s20 =	sshll.u32 s4, $0x1;
	s4 =	sadd.s32 s21, s2  }
0x9d: {  	[timem:s6], [sflag:s22] =	dma.local [hbm:s4], s20  }
0x9e: {  	_ =	swait.ge [sflag:s22], s20  }
0x9f: {  	s3 =	ssub.s32 $0x0, s20;
	[sflag:s22] =	ssyncset.done $0x0  }
0xa0: {  	[sflag:s22] =	ssyncadd.s32 s3;
	_ =	sdelay $0x1  }
0xa1: {  	s23 =	simm.s32 $0x1B8B  }
0xa2: {  	_ =	swait.ge [sflag:s23], $0x1  }
0xa3: {  	[sflag:s23] =	ssyncset.done $0x0  }
0xa4: {  	s25 =	simm.s32 $0x1B8E;
	s24 =	sld [smem:$0x3FFE];
	[sflag:s23] =	ssyncadd.s32 $0xFFFFFFFF  }
0xa5: {  	s26 =	simm.s32 $execute0_lowered;
	[smem:$0x3FD2] =	sst s25  }
0xa6: {  	s4 =	sshll.u32 s26, $0x1;
	_ =	strace $0x80000046;
	[dreg:$0x1] =	wrdreg $0xFFFFFFFF  }
0xa7: {  	s28 =	simm.s32 $_size_execute0_lowered;
	s2 =	sadd.s32 s2, s4;
	[dreg:$0x0] =	wrdreg $0x0  }
0xa8: {  	s4 =	sshll.u32 s28, $0x1;
	[dreg:$0x2] =	wrdreg s2  }
0xa9: {  	[dreg:$0x3] =	wrdreg s4  }
0xaa: {  	[dreg:$0x4] =	wrdreg $0xC0  }
0xab: {  	_ =	task [dreg:s6], $0x5FFFF  }
0xac: {  	[dreg:$0x1] =	wrdreg $0xFFFFFFFF  }
0xad: {  	[dreg:$0x0] =	wrdreg $0x60  }
0xae: {  	[dreg:$0x2] =	wrdreg s24  }
0xaf: {  	[dreg:$0x3] =	wrdreg $0x9  }
0xb0: {  	_ =	task.clear_ibuf [dreg:s6], $0x4FFFF;
	_ =	strace $0x90000046  }
0xb1: {  	s29 =	simm.s32 $0x9;
	_ =	strace $0x80000048  }
0xb2: {  	_ =	swait.ge [sflag:s29], $0x1  }
0xb3: {  	[sflag:s29] =	ssyncadd.s32 $0xFFFFFFFF  }
0xb4: {  	_ =	strace $0x90000048  }
0xb5: {  	_ =	sfence  }
0xb6: {  	s30 =	sld [smem:$0x0];
	_ =	sdelay $0x2  }
0xb7: {  	s31 =	sshll.u32 s1, $0xD;
	s1 =	sshrl.u32 s1, $0x2  }
0xb8: {  	s3 =	sand.u32 $0x4000, s31;
	s1 =	sadd.s32 s1, s30  }
0xb9: {  	s0 =	sor.u32 s3, s0;
	s1 =	sshll.u32 s1, $0x11  }
0xba: {  	s0 =	sor.u32 s1, s0  }
0xbb: {  	s0 =	sadd.s32 $0x8F2B, s0  }
0xbc: {  	[sflag:s0] =	ssyncadd.remote.s32 $0x1  }
0xbd: {  	_ =	sfence.sel $0xFFFF  }
0xbe: {  	[dreg:$0x0] =	wrdreg $0xFFFFFFFF;
	(pc) =	sbr.abs _section_cstart, $3  }
0xbf: {  	[dreg:$0x1] =	wrdreg $0xFFFFFFFF  }
0xc0: {  	_ =	task.clear_ibuf [dreg:s6], $0x2FFFF;
	_ =	strace $0x9FFFFFFF  }
0xc1: {  	(tm) =	ssettm $0x7FFFFFFF  }
tec
execute0_lowered:
.L_overlay_start_1:
0x0: {  	(tag) =	ssettag $0x1  }
0x1: {  	s4 =	rddreg [dreg:$0x0];
	s1 =	srdreg.scid  }
0x2: {  	s0 =	stileid.u32;
	s8 =	simm.s32 $0x400;
	s9 =	simm.s32 $0x1  }
0x3: {  	s10 =	simm.s32 $0x2800;
	s11 =	simm.s32 $0x0;
	s3 =	sand.u32 $0x1, s1  }
0x4: {  	s29 =	sshrl.u32 s0, $0x2;
	s2 =	sshll.u32 s0, $0x8;
	s1 =	rddreg [dreg:$0x1]  }
0x5: {  	s5 =	smul.u32 $0x14000, s29;
	s6 =	sshll.u32 s3, $0x7;
	s7 =	sand.u32 $0x300, s2  }
0x6: {  	s2 =	simm.s32 $0x0;
	s30 =	ssub.s32 $0x2, s3;
	s6 =	sor.u32 s6, s7  }
0x7: {  	s3 =	sadd.s32 $0x16400, s4;
	[smem:$0x7FF] =	sst s2;
	s5 =	sor.u32 s5, s6  }
0x8: {  	s31 =	sshrl.u32 s30, $0x1;
	s7 =	simm.s32 $0x80;
	s5 =	sshrl.u32 s5, $0x3  }
0x9: {  	_ =	strace $0x80000047;
	s6 =	ssub.s32 s30, s31;
	s5 =	sadd.s32 s5, s4  }
0xa: {  	v0 =	vimm.f32 $1.000000000e+00;
	s6 =	smax.u32 s6, $0x1;
	s4 =	sadd.s32 $0xC400, s5;
	s5 =	sadd.s32 $0x16A00, s5  }
.LBB2_1:
0xb: {  	[tilespmem:s2], [sflag:$0x1] =	stream.strided.gather [hbm4b:s4+s7], $0x2800, s8, s7, $0x38;
	[tilespmem:$0x5000] =	vst v63  }
0xc: {  	_ =	swait.ge [sflag:s9], $0x2800  }
0xd: {  	[sflag:s9] =	ssyncset.done $0x0  }
0xe: {  	[sflag:s9] =	ssyncadd.s32 $0xFFFFD800  }
0xf: {  	[tilespmem:s10], [sflag:$0x1] =	stream.linear.gather [hbm4b:s3+s2], $0x2800, $0x38;
	[tilespmem:$0x5000] =	vst v63  }
0x10: {  	_ =	swait.ge [sflag:s9], $0x2800  }
0x11: {  	[sflag:s9] =	ssyncset.done $0x0  }
0x12: {  	s13 =	simm.s32 $0x0;
	s12 =	simm.s32 $0x40;
	[sflag:s9] =	ssyncadd.s32 $0xFFFFD800  }
.LBB2_2:
0x13: {  	p0 =	sne.s32 s12, $0x9FC0;
	v1 =	vld [tilespmem:s13+$0x0];
	_ =	sdelay $0x3  }
.Ltmp0:
0x14: {  	(pc) =	sbr.rel @p0 .LBB2_2-.Ltmp0, $2  }
0x15: {  	_ =	sdelay $0x2  }
0x16: {  	s13 =	sshra.s32 s12, $0x2;
	s12 =	sadd.s32 $0x40, s12;
	[tilespmem:v1+s10+$0x0] =	vst.idx.add.f32.msk $0xffff, v0  }
0x17: {  	v1 =	vld [tilespmem:s13+$0x0];
	_ =	sdelay $0x5  }
0x18: {  	s11 =	sadd.s32 $0x1, s11  }
0x19: {  	p0 =	sne.s32 s11, s6  }
.Ltmp1:
0x1a: {  	[tilespmem:v1+s10+$0x0] =	vst.idx.add.f32.msk $0xffff, v0;
	(pc) =	sbr.rel @p0 .LBB2_1-.Ltmp1, $4  }
0x1b: {  	[hbm4b:s5+s7] =	stream.strided.scatter [tilespmem:s10], [sflag:$0x1], $0x2800, s8, s7, $0x38;
	[tilespmem:$0x5000] =	vst v63  }
0x1c: {  	_ =	swait.ge [sflag:s9], $0x2800  }
0x1d: {  	[sflag:s9] =	ssyncset.done $0x0  }
0x1e: {  	[sflag:s9] =	ssyncadd.s32 $0xFFFFD800  }
0x1f: {  	_ =	sfence.sel $0x180000  }
0x20: {  	[bflag:$0x0] =	sbarrier.arrive $0xFFFF  }
0x21: {  	p0 =	sne.s32 s0, $0x0;
	_ =	strace $0x90000047  }
0x22: {  	s0 =	sadd.s32 @!p0 $0x100000, s1;
	[bflag:$0x2] =	sbarrier.arrive $0xFFFF  }
0x23: {  	[sflag:s0] =	ssyncadd.tile.s32 @!p0 $0x1;
	_ =	shalt  }
.Lfunc_end2:
_tile_overlayer_lowered:
.L_overlay_start_2:
0x24: {  	(tag) =	ssettag $0x2  }
0x25: {  	s0 =	rddreg [dreg:$0x0];
	s2 =	stileid.u32  }
0x26: {  	s1 =	rddreg [dreg:$0x1];
	p0 =	sne.s32 s2, $0x0  }
0x27: {  	s3 =	rddreg [dreg:$0x2];
	[bflag:$0x3] =	sbarrier.arrive $0xFFFF;
	s2 =	simm.s32 @!p0 $0x1C01  }
0x28: {  	[timem:s3], [sflag:s2] =	dma.local @!p0 [hbm:s0], s1  }
0x29: {  	s0 =	simm.s32 @!p0 $0x1  }
0x2a: {  	_ =	swait.ge @!p0 [sflag:s0], s1  }
0x2b: {  	s1 =	ssub.s32 @!p0 $0x0, s1;
	[sflag:s0] =	ssyncset.done @!p0 $0x0  }
0x2c: {  	[sflag:s0] =	ssyncadd.s32 @!p0 s1  }
0x2d: {  	[bflag:$0x3] =	sbarrier.arrive $0xFFFF  }
0x2e: {  	_ =	shalt  }

</sc_bundles>
